<compile_context>
chip_gen: v7x
topology: tpu7x:2x2x1
jax: 0.10.2.dev20260603
libtpu: 0.0.44.dev20260713+nightly
codegen_flags: <defaults>
</compile_context>

<pallas_src>
import functools

import jax
import jax.numpy as jnp
from jax import lax
from jax.experimental import pallas as pl
from jax.experimental.pallas import tpu as pltpu
from jax.experimental.pallas import tpu_sc as plsc

N_NODES = 10000
N_EDGES = 320000
D = 128

NC = 2
NS = 16
NW = NC * NS

CHUNK = 128
N_CHUNKS = N_EDGES // CHUNK
N_ITER = 84

ROW_STRIDE = 624
ROW_SPAN = 640
ZROWS = 128


def _sc_gather_segment_sum(x, e3):
    mesh = plsc.VectorSubcoreMesh(core_axis_name="c", subcore_axis_name="s")

    @functools.partial(
        pl.kernel,
        out_type=jax.ShapeDtypeStruct((NC * N_NODES, D), jnp.float32),
        mesh=mesh,
        scratch_types=(
            [pltpu.VMEM((2, CHUNK), jnp.int32)] * 6
            + [pltpu.VMEM((CHUNK, D), jnp.float32)] * 3
            + [pltpu.VMEM_SHARED((N_NODES, D), jnp.float32)]
            + [pltpu.SemaphoreType.DMA] * 12
        ),
    )
    def k(x_hbm, e_hbm, out_hbm, *refs):
        idx = list(refs[0:6])
        msg = list(refs[6:9])
        h_sh = refs[9]
        isem = list(refs[10:16])
        gsem = list(refs[16:19])
        ssem = list(refs[19:22])

        cid = lax.axis_index("c")
        sid = lax.axis_index("s")
        wid = cid * NS + sid

        def chunk_of(kk):
            return wid + kk * NW

        def valid(kk):
            return chunk_of(kk) < N_CHUNKS

        def start_idx(kk, b4):
            pltpu.async_copy(e_hbm.at[chunk_of(kk)], idx[b4], isem[b4])

        def wait_idx(kk, b4):
            pltpu.make_async_copy(e_hbm.at[chunk_of(kk)], idx[b4], isem[b4]).wait()

        def start_gather(b2, b4):
            pltpu.async_copy(x_hbm.at[idx[b4].at[0]], msg[b2], gsem[b2])

        def wait_gather(b2, b4):
            pltpu.make_async_copy(x_hbm.at[idx[b4].at[0]], msg[b2], gsem[b2]).wait()

        def start_scat(b2, b4):
            pltpu.async_copy(msg[b2], h_sh.at[idx[b4].at[1]], ssem[b2], add=True)

        def wait_scat(b2, b4):
            pltpu.make_async_copy(msg[b2], h_sh.at[idx[b4].at[1]], ssem[b2]).wait()

        for kk in range(4):
            start_idx(kk, kk)
        wait_idx(0, 0)
        start_gather(0, 0)
        wait_idx(1, 1)
        start_gather(1, 1)

        @pl.loop(0, ZROWS)
        def _(r):
            @pl.loop(0, D, step=16)
            def _(f):
                msg[2][r, pl.ds(f, 16)] = jnp.zeros((16,), jnp.float32)

        @pl.loop(0, ROW_SPAN, step=ZROWS)
        def _(r0):
            pltpu.sync_copy(msg[2], h_sh.at[pl.ds(sid * ROW_STRIDE + r0, ZROWS)])

        plsc.subcore_barrier()

        @pl.loop(0, N_ITER // 6)
        def _(t):
            for j in range(6):
                kk = t * 6 + j
                b3, b6 = j % 3, j

                @pl.when(valid(kk))
                def _():
                    wait_gather(b3, b6)
                    start_scat(b3, b6)

                if j == 0:
                    prev_done = (t > 0) & valid(kk - 1)
                else:
                    prev_done = valid(kk - 1)

                @pl.when(prev_done)
                def _():
                    wait_scat((j + 2) % 3, (j + 5) % 6)

                @pl.when(valid(kk + 4))
                def _():
                    start_idx(kk + 4, (j + 4) % 6)

                @pl.when(valid(kk + 2))
                def _():
                    wait_idx(kk + 2, (j + 2) % 6)
                    start_gather((j + 2) % 3, (j + 2) % 6)

        plsc.subcore_barrier()

        row0 = sid * ROW_STRIDE
        pltpu.sync_copy(
            h_sh.at[pl.ds(row0, ROW_SPAN)],
            out_hbm.at[pl.ds(cid * N_NODES + row0, ROW_SPAN)],
        )

    return k(x, e3)


def _tc_linear_relu(parts, W, b):
    BLK = 1000

    def body(p0_ref, p1_ref, w_ref, b_ref, o_ref):
        h = p0_ref[...] + p1_ref[...]
        y = lax.dot_general(
            h, w_ref[...], (((1,), (1,)), ((), ())),
            preferred_element_type=jnp.float32,
        )
        o_ref[...] = jnp.maximum(y + b_ref[...], 0.0)

    nblk = N_NODES // BLK
    return pl.pallas_call(
        body,
        grid=(nblk,),
        in_specs=[
            pl.BlockSpec((BLK, D), lambda i: (i, 0)),
            pl.BlockSpec((BLK, D), lambda i: (i + nblk, 0)),
            pl.BlockSpec((D, D), lambda i: (0, 0)),
            pl.BlockSpec((1, D), lambda i: (0, 0)),
        ],
        out_specs=pl.BlockSpec((BLK, D), lambda i: (i, 0)),
        out_shape=jax.ShapeDtypeStruct((N_NODES, D), jnp.float32),
    )(parts, parts, W, b.reshape(1, D))


def kernel(x, edge_index, W, b):
    e3 = edge_index.reshape(2, N_CHUNKS, CHUNK).transpose((1, 0, 2))
    parts = _sc_gather_segment_sum(x, e3)
    return _tc_linear_relu(parts, W, b)

# --- scband reference (transcript-rebuilt; emitter-appended) ---
"""Pipeline reference for scband-gcn-5944234737723 (READ-ONLY COPY).

The authoritative reference and input builder live on the scoring server;
editing this copy changes nothing except your own understanding.
"""

import jax, jax.numpy as jnp
import numpy as np

N_NODES = 10000
N_EDGES = 320000
D_IN = 128
D_OUT = 128

def setup_inputs(seed: int = 0) -> dict:
    key = jax.random.key(seed)
    k1, k2, k3, k4 = jax.random.split(key, 4)
    x = jax.random.normal(k1, (N_NODES, D_IN), dtype=jnp.float32)
    edge_index = jax.random.randint(k2, (2, N_EDGES), 0, N_NODES, dtype=jnp.int32)
    # nn.Linear(in_feats, out_feats) params
    bound = 1.0 / np.sqrt(D_IN)
    W = jax.random.uniform(k3, (D_OUT, D_IN), dtype=jnp.float32, minval=-bound, maxval=bound)
    b = jax.random.uniform(k4, (D_OUT,), dtype=jnp.float32, minval=-bound, maxval=bound)
    return {"x": x, "edge_index": edge_index, "W": W, "b": b}

def reference(x, edge_index, W, b):
    # GCN message passing: copy src feature -> sum at dst -> linear -> relu
    src = edge_index[0]
    dst = edge_index[1]
    m = jnp.take(x, src, axis=0)                      # gather messages from source nodes
    h = jax.ops.segment_sum(m, dst, num_segments=N_NODES)  # scatter-add reduce at dst
    h = h @ W.T + b                                    # NodeApplyModule linear
    h = jax.nn.relu(h)                                 # activation (relu, inplace in torch)
    return h

if __name__ == "__main__":
    import jax
    _d = setup_inputs()
    print(jax.jit(kernel)(*tuple(_d.values())))

</pallas_src>

<mosaic_0001>
#map = affine_map<(d0, d1) -> (0, 0)>
#map1 = affine_map<(d0, d1) -> (0, 0, 0)>
module attributes {stable_mosaic.version = 14 : i64} {
  func.func @k(%arg0: i32, %arg1: i32, %arg2: memref<10000x128xf32, #tpu.memory_space<hbm>>, %arg3: memref<2500x2x128xi32, #tpu.memory_space<hbm>>, %arg4: memref<20000x128xf32, #tpu.memory_space<hbm>>, %arg5: memref<2x128xi32, #tpu.memory_space<vmem>>, %arg6: memref<2x128xi32, #tpu.memory_space<vmem>>, %arg7: memref<2x128xi32, #tpu.memory_space<vmem>>, %arg8: memref<2x128xi32, #tpu.memory_space<vmem>>, %arg9: memref<2x128xi32, #tpu.memory_space<vmem>>, %arg10: memref<2x128xi32, #tpu.memory_space<vmem>>, %arg11: memref<128x128xf32, #tpu.memory_space<vmem>>, %arg12: memref<128x128xf32, #tpu.memory_space<vmem>>, %arg13: memref<128x128xf32, #tpu.memory_space<vmem>>, %arg14: memref<10000x128xf32, #tpu.memory_space<vmem_shared>>, %arg15: memref<!tpu.dma_semaphore, #tpu.memory_space<semaphore_mem>>, %arg16: memref<!tpu.dma_semaphore, #tpu.memory_space<semaphore_mem>>, %arg17: memref<!tpu.dma_semaphore, #tpu.memory_space<semaphore_mem>>, %arg18: memref<!tpu.dma_semaphore, #tpu.memory_space<semaphore_mem>>, %arg19: memref<!tpu.dma_semaphore, #tpu.memory_space<semaphore_mem>>, %arg20: memref<!tpu.dma_semaphore, #tpu.memory_space<semaphore_mem>>, %arg21: memref<!tpu.dma_semaphore, #tpu.memory_space<semaphore_mem>>, %arg22: memref<!tpu.dma_semaphore, #tpu.memory_space<semaphore_mem>>, %arg23: memref<!tpu.dma_semaphore, #tpu.memory_space<semaphore_mem>>, %arg24: memref<!tpu.dma_semaphore, #tpu.memory_space<semaphore_mem>>, %arg25: memref<!tpu.dma_semaphore, #tpu.memory_space<semaphore_mem>>, %arg26: memref<!tpu.dma_semaphore, #tpu.memory_space<semaphore_mem>>) attributes {dimension_semantics = [#tpu.dimension_semantics<core_parallel>, #tpu.dimension_semantics<subcore_parallel>], iteration_bounds = array<i64: 2, 16>, scalar_prefetch = 0 : i64, scratch_operands = 22 : i64, tpu.core_type = #tpu.core_type<sc_vector_subcore>, window_params = [{transform_indices = #map}, {transform_indices = #map1}, {transform_indices = #map}]} {
    %mul3A = arith.constant 16 : i32
    %mul3A_0 = arith.muli %arg0, %mul3A : i32
    %add3A = arith.addi %mul3A_0, %arg1 : i32
    %add3A_1 = arith.constant 0 : i32
    %add3A_2 = arith.addi %add3A, %add3A_1 : i32
    %dma_start3A = arith.constant 0 : i32
    %dma_start3A_3 = arith.constant 0 : i32
    %dma_start3A_4 = tpu.memref_slice %arg3[%add3A_2, %dma_start3A, %dma_start3A_3] : memref<2500x2x128xi32, #tpu.memory_space<hbm>> -> memref<1x2x128xi32, #tpu.memory_space<hbm>>
    %dma_start3A_5 = tpu.memref_squeeze %dma_start3A_4 : memref<1x2x128xi32, #tpu.memory_space<hbm>> -> memref<2x128xi32, #tpu.memory_space<hbm>>
    %dma_start3A_6 = arith.constant 0 : i32
    %dma_start3A_7 = arith.constant 0 : i32
    %dma_start3A_8 = tpu.memref_slice %arg3[%add3A_2, %dma_start3A_6, %dma_start3A_7] : memref<2500x2x128xi32, #tpu.memory_space<hbm>> -> memref<1x2x128xi32, #tpu.memory_space<hbm>>
    %dma_start3A_9 = tpu.memref_squeeze %dma_start3A_8 : memref<1x2x128xi32, #tpu.memory_space<hbm>> -> memref<2x128xi32, #tpu.memory_space<hbm>>
    tpu.enqueue_dma source(%dma_start3A_9 : memref<2x128xi32, #tpu.memory_space<hbm>>) target(%arg5 : memref<2x128xi32, #tpu.memory_space<vmem>>) target_semaphore(%arg15 : memref<!tpu.dma_semaphore, #tpu.memory_space<semaphore_mem>>)
    %add3A_10 = arith.constant 32 : i32
    %add3A_11 = arith.addi %add3A, %add3A_10 : i32
    %dma_start3A_12 = arith.constant 0 : i32
    %dma_start3A_13 = arith.constant 0 : i32
    %dma_start3A_14 = tpu.memref_slice %arg3[%add3A_11, %dma_start3A_12, %dma_start3A_13] : memref<2500x2x128xi32, #tpu.memory_space<hbm>> -> memref<1x2x128xi32, #tpu.memory_space<hbm>>
    %dma_start3A_15 = tpu.memref_squeeze %dma_start3A_14 : memref<1x2x128xi32, #tpu.memory_space<hbm>> -> memref<2x128xi32, #tpu.memory_space<hbm>>
    %dma_start3A_16 = arith.constant 0 : i32
    %dma_start3A_17 = arith.constant 0 : i32
    %dma_start3A_18 = tpu.memref_slice %arg3[%add3A_11, %dma_start3A_16, %dma_start3A_17] : memref<2500x2x128xi32, #tpu.memory_space<hbm>> -> memref<1x2x128xi32, #tpu.memory_space<hbm>>
    %dma_start3A_19 = tpu.memref_squeeze %dma_start3A_18 : memref<1x2x128xi32, #tpu.memory_space<hbm>> -> memref<2x128xi32, #tpu.memory_space<hbm>>
    tpu.enqueue_dma source(%dma_start3A_19 : memref<2x128xi32, #tpu.memory_space<hbm>>) target(%arg6 : memref<2x128xi32, #tpu.memory_space<vmem>>) target_semaphore(%arg16 : memref<!tpu.dma_semaphore, #tpu.memory_space<semaphore_mem>>)
    %add3A_20 = arith.constant 64 : i32
    %add3A_21 = arith.addi %add3A, %add3A_20 : i32
    %dma_start3A_22 = arith.constant 0 : i32
    %dma_start3A_23 = arith.constant 0 : i32
    %dma_start3A_24 = tpu.memref_slice %arg3[%add3A_21, %dma_start3A_22, %dma_start3A_23] : memref<2500x2x128xi32, #tpu.memory_space<hbm>> -> memref<1x2x128xi32, #tpu.memory_space<hbm>>
    %dma_start3A_25 = tpu.memref_squeeze %dma_start3A_24 : memref<1x2x128xi32, #tpu.memory_space<hbm>> -> memref<2x128xi32, #tpu.memory_space<hbm>>
    %dma_start3A_26 = arith.constant 0 : i32
    %dma_start3A_27 = arith.constant 0 : i32
    %dma_start3A_28 = tpu.memref_slice %arg3[%add3A_21, %dma_start3A_26, %dma_start3A_27] : memref<2500x2x128xi32, #tpu.memory_space<hbm>> -> memref<1x2x128xi32, #tpu.memory_space<hbm>>
    %dma_start3A_29 = tpu.memref_squeeze %dma_start3A_28 : memref<1x2x128xi32, #tpu.memory_space<hbm>> -> memref<2x128xi32, #tpu.memory_space<hbm>>
    tpu.enqueue_dma source(%dma_start3A_29 : memref<2x128xi32, #tpu.memory_space<hbm>>) target(%arg7 : memref<2x128xi32, #tpu.memory_space<vmem>>) target_semaphore(%arg17 : memref<!tpu.dma_semaphore, #tpu.memory_space<semaphore_mem>>)
    %add3A_30 = arith.constant 96 : i32
    %add3A_31 = arith.addi %add3A, %add3A_30 : i32
    %dma_start3A_32 = arith.constant 0 : i32
    %dma_start3A_33 = arith.constant 0 : i32
    %dma_start3A_34 = tpu.memref_slice %arg3[%add3A_31, %dma_start3A_32, %dma_start3A_33] : memref<2500x2x128xi32, #tpu.memory_space<hbm>> -> memref<1x2x128xi32, #tpu.memory_space<hbm>>
    %dma_start3A_35 = tpu.memref_squeeze %dma_start3A_34 : memref<1x2x128xi32, #tpu.memory_space<hbm>> -> memref<2x128xi32, #tpu.memory_space<hbm>>
    %dma_start3A_36 = arith.constant 0 : i32
    %dma_start3A_37 = arith.constant 0 : i32
    %dma_start3A_38 = tpu.memref_slice %arg3[%add3A_31, %dma_start3A_36, %dma_start3A_37] : memref<2500x2x128xi32, #tpu.memory_space<hbm>> -> memref<1x2x128xi32, #tpu.memory_space<hbm>>
    %dma_start3A_39 = tpu.memref_squeeze %dma_start3A_38 : memref<1x2x128xi32, #tpu.memory_space<hbm>> -> memref<2x128xi32, #tpu.memory_space<hbm>>
    tpu.enqueue_dma source(%dma_start3A_39 : memref<2x128xi32, #tpu.memory_space<hbm>>) target(%arg8 : memref<2x128xi32, #tpu.memory_space<vmem>>) target_semaphore(%arg18 : memref<!tpu.dma_semaphore, #tpu.memory_space<semaphore_mem>>)
    %add3A_40 = arith.constant 0 : i32
    %add3A_41 = arith.addi %add3A, %add3A_40 : i32
    %dma_wait3A = arith.constant 0 : i32
    %dma_wait3A_42 = arith.constant 0 : i32
    %dma_wait3A_43 = tpu.memref_slice %arg3[%add3A_41, %dma_wait3A, %dma_wait3A_42] : memref<2500x2x128xi32, #tpu.memory_space<hbm>> -> memref<1x2x128xi32, #tpu.memory_space<hbm>>
    %dma_wait3A_44 = tpu.memref_squeeze %dma_wait3A_43 : memref<1x2x128xi32, #tpu.memory_space<hbm>> -> memref<2x128xi32, #tpu.memory_space<hbm>>
    %dma_wait3A_45 = arith.constant 0 : i32
    %dma_wait3A_46 = arith.constant 0 : i32
    %dma_wait3A_47 = tpu.memref_slice %arg3[%add3A_41, %dma_wait3A_45, %dma_wait3A_46] : memref<2500x2x128xi32, #tpu.memory_space<hbm>> -> memref<1x2x128xi32, #tpu.memory_space<hbm>>
    %dma_wait3A_48 = tpu.memref_squeeze %dma_wait3A_47 : memref<1x2x128xi32, #tpu.memory_space<hbm>> -> memref<2x128xi32, #tpu.memory_space<hbm>>
    tpu.wait_dma2 semaphore(%arg15 : memref<!tpu.dma_semaphore, #tpu.memory_space<semaphore_mem>>) src(%dma_wait3A_48 : memref<2x128xi32, #tpu.memory_space<hbm>>) dst(%arg5 : memref<2x128xi32, #tpu.memory_space<vmem>>)
    %dma_start3A_49 = arith.constant 0 : i32
    %dma_start3A_50 = arith.constant 0 : i32
    %dma_start3A_51 = tpu.memref_slice %arg5[%dma_start3A_49, %dma_start3A_50] : memref<2x128xi32, #tpu.memory_space<vmem>> -> memref<1x128xi32, #tpu.memory_space<vmem>>
    %dma_start3A_52 = tpu.memref_squeeze %dma_start3A_51 : memref<1x128xi32, #tpu.memory_space<vmem>> -> memref<128xi32, #tpu.memory_space<vmem>>
    %dma_start3A_53 = arith.constant 0 : i32
    %dma_start3A_54 = arith.constant 0 : i32
    %dma_start3A_55 = tpu.memref_slice %arg2[%dma_start3A_53, %dma_start3A_54] : memref<10000x128xf32, #tpu.memory_space<hbm>> -> memref<10000x128xf32, #tpu.memory_space<hbm>>
    tpu.enqueue_indirect_dma source(%dma_start3A_55 : memref<10000x128xf32, #tpu.memory_space<hbm>>) target(%arg11 : memref<128x128xf32, #tpu.memory_space<vmem>>) offsets(%dma_start3A_52 : memref<128xi32, #tpu.memory_space<vmem>>) semaphore(%arg21 : memref<!tpu.dma_semaphore, #tpu.memory_space<semaphore_mem>>)
    %add3A_56 = arith.constant 32 : i32
    %add3A_57 = arith.addi %add3A, %add3A_56 : i32
    %dma_wait3A_58 = arith.constant 0 : i32
    %dma_wait3A_59 = arith.constant 0 : i32
    %dma_wait3A_60 = tpu.memref_slice %arg3[%add3A_57, %dma_wait3A_58, %dma_wait3A_59] : memref<2500x2x128xi32, #tpu.memory_space<hbm>> -> memref<1x2x128xi32, #tpu.memory_space<hbm>>
    %dma_wait3A_61 = tpu.memref_squeeze %dma_wait3A_60 : memref<1x2x128xi32, #tpu.memory_space<hbm>> -> memref<2x128xi32, #tpu.memory_space<hbm>>
    %dma_wait3A_62 = arith.constant 0 : i32
    %dma_wait3A_63 = arith.constant 0 : i32
    %dma_wait3A_64 = tpu.memref_slice %arg3[%add3A_57, %dma_wait3A_62, %dma_wait3A_63] : memref<2500x2x128xi32, #tpu.memory_space<hbm>> -> memref<1x2x128xi32, #tpu.memory_space<hbm>>
    %dma_wait3A_65 = tpu.memref_squeeze %dma_wait3A_64 : memref<1x2x128xi32, #tpu.memory_space<hbm>> -> memref<2x128xi32, #tpu.memory_space<hbm>>
    tpu.wait_dma2 semaphore(%arg16 : memref<!tpu.dma_semaphore, #tpu.memory_space<semaphore_mem>>) src(%dma_wait3A_65 : memref<2x128xi32, #tpu.memory_space<hbm>>) dst(%arg6 : memref<2x128xi32, #tpu.memory_space<vmem>>)
    %dma_start3A_66 = arith.constant 0 : i32
    %dma_start3A_67 = arith.constant 0 : i32
    %dma_start3A_68 = tpu.memref_slice %arg6[%dma_start3A_66, %dma_start3A_67] : memref<2x128xi32, #tpu.memory_space<vmem>> -> memref<1x128xi32, #tpu.memory_space<vmem>>
    %dma_start3A_69 = tpu.memref_squeeze %dma_start3A_68 : memref<1x128xi32, #tpu.memory_space<vmem>> -> memref<128xi32, #tpu.memory_space<vmem>>
    %dma_start3A_70 = arith.constant 0 : i32
    %dma_start3A_71 = arith.constant 0 : i32
    %dma_start3A_72 = tpu.memref_slice %arg2[%dma_start3A_70, %dma_start3A_71] : memref<10000x128xf32, #tpu.memory_space<hbm>> -> memref<10000x128xf32, #tpu.memory_space<hbm>>
    tpu.enqueue_indirect_dma source(%dma_start3A_72 : memref<10000x128xf32, #tpu.memory_space<hbm>>) target(%arg12 : memref<128x128xf32, #tpu.memory_space<vmem>>) offsets(%dma_start3A_69 : memref<128xi32, #tpu.memory_space<vmem>>) semaphore(%arg22 : memref<!tpu.dma_semaphore, #tpu.memory_space<semaphore_mem>>)
    %scan3A = arith.constant 0 : i32
    %scan3A_73 = arith.constant 128 : i32
    %scan3A_74 = arith.addi %scan3A, %scan3A_73 : i32
    %scan3A_75 = arith.constant 1 : i32
    scf.for %scan3A_93 = %scan3A to %scan3A_74 step %scan3A_75  : i32 {
      %mul3A_94 = arith.constant 1 : i32
      %mul3A_95 = arith.muli %scan3A_93, %mul3A_94 : i32
      %add3A_96 = arith.constant 0 : i32
      %add3A_97 = arith.addi %add3A_96, %mul3A_95 : i32
      %scan3A_98 = arith.constant 0 : i32
      %scan3A_99 = arith.constant 8 : i32
      %scan3A_100 = arith.addi %scan3A_98, %scan3A_99 : i32
      %scan3A_101 = arith.constant 1 : i32
      scf.for %scan3A_103 = %scan3A_98 to %scan3A_100 step %scan3A_101  : i32 {
        %mul3A_104 = arith.constant 16 : i32
        %mul3A_105 = arith.muli %scan3A_103, %mul3A_104 : i32
        %add3A_106 = arith.constant 0 : i32
        %add3A_107 = arith.addi %add3A_106, %mul3A_105 : i32
        %broadcast_in_dim3A = arith.constant 0.000000e+00 : f32
        %broadcast_in_dim3A_108 = vector.broadcast %broadcast_in_dim3A : f32 to vector<16xf32>
        %swap3A = arith.index_cast %add3A_97 : i32 to index
        %swap3A_109 = arith.index_cast %add3A_107 : i32 to index
        %swap3A_110 = tpu.vector_load %arg13[%swap3A, %swap3A_109] {strides = array<i32>} : memref<128x128xf32, #tpu.memory_space<vmem>>, vector<1x16xf32>,
        %swap3A_111 = vector.shape_cast %swap3A_110 : vector<1x16xf32> to vector<16xf32>
        %swap3A_112 = vector.shape_cast %broadcast_in_dim3A_108 : vector<16xf32> to vector<1x16xf32>
        tpu.vector_store %arg13[%swap3A, %swap3A_109], %swap3A_112 {strides = array<i32>} : memref<128x128xf32, #tpu.memory_space<vmem>>, vector<1x16xf32>,
      }
      %scan3A_102 = arith.constant 8 : i32
    }
    %scan3A_76 = arith.constant 128 : i32
    %scan3A_77 = arith.constant 0 : i32
    %scan3A_78 = arith.constant 5 : i32
    %scan3A_79 = arith.addi %scan3A_77, %scan3A_78 : i32
    %scan3A_80 = arith.constant 1 : i32
    scf.for %scan3A_93 = %scan3A_77 to %scan3A_79 step %scan3A_80  : i32 {
      %mul3A_94 = arith.constant 128 : i32
      %mul3A_95 = arith.muli %scan3A_93, %mul3A_94 : i32
      %add3A_96 = arith.constant 0 : i32
      %add3A_97 = arith.addi %add3A_96, %mul3A_95 : i32
      %mul3A_98 = arith.constant 624 : i32
      %mul3A_99 = arith.muli %arg1, %mul3A_98 : i32
      %add3A_100 = arith.addi %mul3A_99, %add3A_97 : i32
      "tpu.region"() ({
        %run_scoped3A = tpu.sem_alloc : memref<!tpu.dma_semaphore, #tpu.memory_space<semaphore_mem>>
        %dma_start3A_101 = arith.constant 0 : i32
        %dma_start3A_102 = tpu.memref_slice %arg14[%add3A_100, %dma_start3A_101] : memref<10000x128xf32, #tpu.memory_space<vmem_shared>> -> memref<128x128xf32, #tpu.memory_space<vmem_shared>>
        %dma_start3A_103 = arith.constant 0 : i32
        %dma_start3A_104 = tpu.memref_slice %arg14[%add3A_100, %dma_start3A_103] : memref<10000x128xf32, #tpu.memory_space<vmem_shared>> -> memref<128x128xf32, #tpu.memory_space<vmem_shared>>
        tpu.enqueue_dma source(%arg13 : memref<128x128xf32, #tpu.memory_space<vmem>>) target(%dma_start3A_104 : memref<128x128xf32, #tpu.memory_space<vmem_shared>>) target_semaphore(%run_scoped3A : memref<!tpu.dma_semaphore, #tpu.memory_space<semaphore_mem>>)
        %dma_wait3A_105 = arith.constant 0 : i32
        %dma_wait3A_106 = tpu.memref_slice %arg14[%add3A_100, %dma_wait3A_105] : memref<10000x128xf32, #tpu.memory_space<vmem_shared>> -> memref<128x128xf32, #tpu.memory_space<vmem_shared>>
        %dma_wait3A_107 = arith.constant 0 : i32
        %dma_wait3A_108 = tpu.memref_slice %arg14[%add3A_100, %dma_wait3A_107] : memref<10000x128xf32, #tpu.memory_space<vmem_shared>> -> memref<128x128xf32, #tpu.memory_space<vmem_shared>>
        tpu.wait_dma2 semaphore(%run_scoped3A : memref<!tpu.dma_semaphore, #tpu.memory_space<semaphore_mem>>) src(%arg13 : memref<128x128xf32, #tpu.memory_space<vmem>>) dst(%dma_wait3A_108 : memref<128x128xf32, #tpu.memory_space<vmem_shared>>)
        tpu.yield
      }) : () -> ()
    }
    %scan3A_81 = arith.constant 5 : i32
    %barrier3A = arith.constant 0 : index
    tpu.barrier barrier_id(%barrier3A)
    %scan3A_82 = arith.constant 0 : i32
    %scan3A_83 = arith.constant 14 : i32
    %scan3A_84 = arith.addi %scan3A_82, %scan3A_83 : i32
    %scan3A_85 = arith.constant 1 : i32
    scf.for %scan3A_93 = %scan3A_82 to %scan3A_84 step %scan3A_85  : i32 {
      %mul3A_94 = arith.constant 1 : i32
      %mul3A_95 = arith.muli %scan3A_93, %mul3A_94 : i32
      %add3A_96 = arith.constant 0 : i32
      %add3A_97 = arith.addi %add3A_96, %mul3A_95 : i32
      %mul3A_98 = arith.constant 6 : i32
      %mul3A_99 = arith.muli %add3A_97, %mul3A_98 : i32
      %add3A_100 = arith.constant 0 : i32
      %add3A_101 = arith.addi %mul3A_99, %add3A_100 : i32
      %mul3A_102 = arith.constant 32 : i32
      %mul3A_103 = arith.muli %add3A_101, %mul3A_102 : i32
      %add3A_104 = arith.addi %add3A, %mul3A_103 : i32
      %lt3A = arith.constant 2500 : i32
      %lt3A_105 = arith.cmpi slt, %add3A_104, %lt3A : i32
      %convert_element_type3A = arith.extui %lt3A_105 : i1 to i32
      %cond3A = arith.constant 0 : i32
      %cond3A_106 = arith.cmpi ne, %convert_element_type3A, %cond3A : i32
      scf.if %cond3A_106 {
        %dma_wait3A_347 = arith.constant 0 : i32
        %dma_wait3A_348 = arith.constant 0 : i32
        %dma_wait3A_349 = tpu.memref_slice %arg5[%dma_wait3A_347, %dma_wait3A_348] : memref<2x128xi32, #tpu.memory_space<vmem>> -> memref<1x128xi32, #tpu.memory_space<vmem>>
        %dma_wait3A_350 = tpu.memref_squeeze %dma_wait3A_349 : memref<1x128xi32, #tpu.memory_space<vmem>> -> memref<128xi32, #tpu.memory_space<vmem>>
        %dma_wait3A_351 = arith.constant 0 : i32
        %dma_wait3A_352 = arith.constant 0 : i32
        %dma_wait3A_353 = tpu.memref_slice %arg2[%dma_wait3A_351, %dma_wait3A_352] : memref<10000x128xf32, #tpu.memory_space<hbm>> -> memref<10000x128xf32, #tpu.memory_space<hbm>>
        tpu.wait_indirect_dma semaphore(%arg21 : memref<!tpu.dma_semaphore, #tpu.memory_space<semaphore_mem>>) src(%dma_wait3A_353 : memref<10000x128xf32, #tpu.memory_space<hbm>>) dst(%arg11 : memref<128x128xf32, #tpu.memory_space<vmem>>)
        %dma_start3A_354 = arith.constant 1 : i32
        %dma_start3A_355 = arith.constant 0 : i32
        %dma_start3A_356 = tpu.memref_slice %arg5[%dma_start3A_354, %dma_start3A_355] : memref<2x128xi32, #tpu.memory_space<vmem>> -> memref<1x128xi32, #tpu.memory_space<vmem>>
        %dma_start3A_357 = tpu.memref_squeeze %dma_start3A_356 : memref<1x128xi32, #tpu.memory_space<vmem>> -> memref<128xi32, #tpu.memory_space<vmem>>
        %dma_start3A_358 = arith.constant 0 : i32
        %dma_start3A_359 = arith.constant 0 : i32
        %dma_start3A_360 = tpu.memref_slice %arg14[%dma_start3A_358, %dma_start3A_359] : memref<10000x128xf32, #tpu.memory_space<vmem_shared>> -> memref<10000x128xf32, #tpu.memory_space<vmem_shared>>
        tpu.enqueue_indirect_dma source(%arg11 : memref<128x128xf32, #tpu.memory_space<vmem>>) target(%dma_start3A_360 : memref<10000x128xf32, #tpu.memory_space<vmem_shared>>) offsets(%dma_start3A_357 : memref<128xi32, #tpu.memory_space<vmem>>) semaphore(%arg24 : memref<!tpu.dma_semaphore, #tpu.memory_space<semaphore_mem>>) {add = true}
      } else {
      }
      %gt3A = arith.constant 0 : i32
      %gt3A_107 = arith.cmpi sgt, %add3A_97, %gt3A : i32
      %sub3A = arith.constant 1 : i32
      %sub3A_108 = arith.subi %add3A_101, %sub3A : i32
      %mul3A_109 = arith.constant 32 : i32
      %mul3A_110 = arith.muli %sub3A_108, %mul3A_109 : i32
      %add3A_111 = arith.addi %add3A, %mul3A_110 : i32
      %lt3A_112 = arith.constant 2500 : i32
      %lt3A_113 = arith.cmpi slt, %add3A_111, %lt3A_112 : i32
      %and3A = arith.andi %gt3A_107, %lt3A_113 : i1
      %convert_element_type3A_114 = arith.extui %and3A : i1 to i32
      %cond3A_115 = arith.constant 0 : i32
      %cond3A_116 = arith.cmpi ne, %convert_element_type3A_114, %cond3A_115 : i32
      scf.if %cond3A_116 {
        %dma_wait3A_347 = arith.constant 1 : i32
        %dma_wait3A_348 = arith.constant 0 : i32
        %dma_wait3A_349 = tpu.memref_slice %arg10[%dma_wait3A_347, %dma_wait3A_348] : memref<2x128xi32, #tpu.memory_space<vmem>> -> memref<1x128xi32, #tpu.memory_space<vmem>>
        %dma_wait3A_350 = tpu.memref_squeeze %dma_wait3A_349 : memref<1x128xi32, #tpu.memory_space<vmem>> -> memref<128xi32, #tpu.memory_space<vmem>>
        %dma_wait3A_351 = arith.constant 0 : i32
        %dma_wait3A_352 = arith.constant 0 : i32
        %dma_wait3A_353 = tpu.memref_slice %arg14[%dma_wait3A_351, %dma_wait3A_352] : memref<10000x128xf32, #tpu.memory_space<vmem_shared>> -> memref<10000x128xf32, #tpu.memory_space<vmem_shared>>
        tpu.wait_indirect_dma semaphore(%arg26 : memref<!tpu.dma_semaphore, #tpu.memory_space<semaphore_mem>>) src(%arg13 : memref<128x128xf32, #tpu.memory_space<vmem>>) dst(%dma_wait3A_353 : memref<10000x128xf32, #tpu.memory_space<vmem_shared>>)
      } else {
      }
      %add3A_117 = arith.constant 4 : i32
      %add3A_118 = arith.addi %add3A_101, %add3A_117 : i32
      %mul3A_119 = arith.constant 32 : i32
      %mul3A_120 = arith.muli %add3A_118, %mul3A_119 : i32
      %add3A_121 = arith.addi %add3A, %mul3A_120 : i32
      %lt3A_122 = arith.constant 2500 : i32
      %lt3A_123 = arith.cmpi slt, %add3A_121, %lt3A_122 : i32
      %convert_element_type3A_124 = arith.extui %lt3A_123 : i1 to i32
      %cond3A_125 = arith.constant 0 : i32
      %cond3A_126 = arith.cmpi ne, %convert_element_type3A_124, %cond3A_125 : i32
      scf.if %cond3A_126 {
        %add3A_347 = arith.constant 4 : i32
        %add3A_348 = arith.addi %add3A_101, %add3A_347 : i32
        %mul3A_349 = arith.constant 32 : i32
        %mul3A_350 = arith.muli %add3A_348, %mul3A_349 : i32
        %add3A_351 = arith.addi %add3A, %mul3A_350 : i32
        %dma_start3A_352 = arith.constant 0 : i32
        %dma_start3A_353 = arith.constant 0 : i32
        %dma_start3A_354 = tpu.memref_slice %arg3[%add3A_351, %dma_start3A_352, %dma_start3A_353] : memref<2500x2x128xi32, #tpu.memory_space<hbm>> -> memref<1x2x128xi32, #tpu.memory_space<hbm>>
        %dma_start3A_355 = tpu.memref_squeeze %dma_start3A_354 : memref<1x2x128xi32, #tpu.memory_space<hbm>> -> memref<2x128xi32, #tpu.memory_space<hbm>>
        %dma_start3A_356 = arith.constant 0 : i32
        %dma_start3A_357 = arith.constant 0 : i32
        %dma_start3A_358 = tpu.memref_slice %arg3[%add3A_351, %dma_start3A_356, %dma_start3A_357] : memref<2500x2x128xi32, #tpu.memory_space<hbm>> -> memref<1x2x128xi32, #tpu.memory_space<hbm>>
        %dma_start3A_359 = tpu.memref_squeeze %dma_start3A_358 : memref<1x2x128xi32, #tpu.memory_space<hbm>> -> memref<2x128xi32, #tpu.memory_space<hbm>>
        tpu.enqueue_dma source(%dma_start3A_359 : memref<2x128xi32, #tpu.memory_space<hbm>>) target(%arg9 : memref<2x128xi32, #tpu.memory_space<vmem>>) target_semaphore(%arg19 : memref<!tpu.dma_semaphore, #tpu.memory_space<semaphore_mem>>)
      } else {
      }
      %add3A_127 = arith.constant 2 : i32
      %add3A_128 = arith.addi %add3A_101, %add3A_127 : i32
      %mul3A_129 = arith.constant 32 : i32
      %mul3A_130 = arith.muli %add3A_128, %mul3A_129 : i32
      %add3A_131 = arith.addi %add3A, %mul3A_130 : i32
      %lt3A_132 = arith.constant 2500 : i32
      %lt3A_133 = arith.cmpi slt, %add3A_131, %lt3A_132 : i32
      %convert_element_type3A_134 = arith.extui %lt3A_133 : i1 to i32
      %cond3A_135 = arith.constant 0 : i32
      %cond3A_136 = arith.cmpi ne, %convert_element_type3A_134, %cond3A_135 : i32
      scf.if %cond3A_136 {
        %add3A_347 = arith.constant 2 : i32
        %add3A_348 = arith.addi %add3A_101, %add3A_347 : i32
        %mul3A_349 = arith.constant 32 : i32
        %mul3A_350 = arith.muli %add3A_348, %mul3A_349 : i32
        %add3A_351 = arith.addi %add3A, %mul3A_350 : i32
        %dma_wait3A_352 = arith.constant 0 : i32
        %dma_wait3A_353 = arith.constant 0 : i32
        %dma_wait3A_354 = tpu.memref_slice %arg3[%add3A_351, %dma_wait3A_352, %dma_wait3A_353] : memref<2500x2x128xi32, #tpu.memory_space<hbm>> -> memref<1x2x128xi32, #tpu.memory_space<hbm>>
        %dma_wait3A_355 = tpu.memref_squeeze %dma_wait3A_354 : memref<1x2x128xi32, #tpu.memory_space<hbm>> -> memref<2x128xi32, #tpu.memory_space<hbm>>
        %dma_wait3A_356 = arith.constant 0 : i32
        %dma_wait3A_357 = arith.constant 0 : i32
        %dma_wait3A_358 = tpu.memref_slice %arg3[%add3A_351, %dma_wait3A_356, %dma_wait3A_357] : memref<2500x2x128xi32, #tpu.memory_space<hbm>> -> memref<1x2x128xi32, #tpu.memory_space<hbm>>
        %dma_wait3A_359 = tpu.memref_squeeze %dma_wait3A_358 : memref<1x2x128xi32, #tpu.memory_space<hbm>> -> memref<2x128xi32, #tpu.memory_space<hbm>>
        tpu.wait_dma2 semaphore(%arg17 : memref<!tpu.dma_semaphore, #tpu.memory_space<semaphore_mem>>) src(%dma_wait3A_359 : memref<2x128xi32, #tpu.memory_space<hbm>>) dst(%arg7 : memref<2x128xi32, #tpu.memory_space<vmem>>)
        %dma_start3A_360 = arith.constant 0 : i32
        %dma_start3A_361 = arith.constant 0 : i32
        %dma_start3A_362 = tpu.memref_slice %arg7[%dma_start3A_360, %dma_start3A_361] : memref<2x128xi32, #tpu.memory_space<vmem>> -> memref<1x128xi32, #tpu.memory_space<vmem>>
        %dma_start3A_363 = tpu.memref_squeeze %dma_start3A_362 : memref<1x128xi32, #tpu.memory_space<vmem>> -> memref<128xi32, #tpu.memory_space<vmem>>
        %dma_start3A_364 = arith.constant 0 : i32
        %dma_start3A_365 = arith.constant 0 : i32
        %dma_start3A_366 = tpu.memref_slice %arg2[%dma_start3A_364, %dma_start3A_365] : memref<10000x128xf32, #tpu.memory_space<hbm>> -> memref<10000x128xf32, #tpu.memory_space<hbm>>
        tpu.enqueue_indirect_dma source(%dma_start3A_366 : memref<10000x128xf32, #tpu.memory_space<hbm>>) target(%arg13 : memref<128x128xf32, #tpu.memory_space<vmem>>) offsets(%dma_start3A_363 : memref<128xi32, #tpu.memory_space<vmem>>) semaphore(%arg23 : memref<!tpu.dma_semaphore, #tpu.memory_space<semaphore_mem>>)
      } else {
      }
      %mul3A_137 = arith.constant 6 : i32
      %mul3A_138 = arith.muli %add3A_97, %mul3A_137 : i32
      %add3A_139 = arith.constant 1 : i32
      %add3A_140 = arith.addi %mul3A_138, %add3A_139 : i32
      %mul3A_141 = arith.constant 32 : i32
      %mul3A_142 = arith.muli %add3A_140, %mul3A_141 : i32
      %add3A_143 = arith.addi %add3A, %mul3A_142 : i32
      %lt3A_144 = arith.constant 2500 : i32
      %lt3A_145 = arith.cmpi slt, %add3A_143, %lt3A_144 : i32
      %convert_element_type3A_146 = arith.extui %lt3A_145 : i1 to i32
      %cond3A_147 = arith.constant 0 : i32
      %cond3A_148 = arith.cmpi ne, %convert_element_type3A_146, %cond3A_147 : i32
      scf.if %cond3A_148 {
        %dma_wait3A_347 = arith.constant 0 : i32
        %dma_wait3A_348 = arith.constant 0 : i32
        %dma_wait3A_349 = tpu.memref_slice %arg6[%dma_wait3A_347, %dma_wait3A_348] : memref<2x128xi32, #tpu.memory_space<vmem>> -> memref<1x128xi32, #tpu.memory_space<vmem>>
        %dma_wait3A_350 = tpu.memref_squeeze %dma_wait3A_349 : memref<1x128xi32, #tpu.memory_space<vmem>> -> memref<128xi32, #tpu.memory_space<vmem>>
        %dma_wait3A_351 = arith.constant 0 : i32
        %dma_wait3A_352 = arith.constant 0 : i32
        %dma_wait3A_353 = tpu.memref_slice %arg2[%dma_wait3A_351, %dma_wait3A_352] : memref<10000x128xf32, #tpu.memory_space<hbm>> -> memref<10000x128xf32, #tpu.memory_space<hbm>>
        tpu.wait_indirect_dma semaphore(%arg22 : memref<!tpu.dma_semaphore, #tpu.memory_space<semaphore_mem>>) src(%dma_wait3A_353 : memref<10000x128xf32, #tpu.memory_space<hbm>>) dst(%arg12 : memref<128x128xf32, #tpu.memory_space<vmem>>)
        %dma_start3A_354 = arith.constant 1 : i32
        %dma_start3A_355 = arith.constant 0 : i32
        %dma_start3A_356 = tpu.memref_slice %arg6[%dma_start3A_354, %dma_start3A_355] : memref<2x128xi32, #tpu.memory_space<vmem>> -> memref<1x128xi32, #tpu.memory_space<vmem>>
        %dma_start3A_357 = tpu.memref_squeeze %dma_start3A_356 : memref<1x128xi32, #tpu.memory_space<vmem>> -> memref<128xi32, #tpu.memory_space<vmem>>
        %dma_start3A_358 = arith.constant 0 : i32
        %dma_start3A_359 = arith.constant 0 : i32
        %dma_start3A_360 = tpu.memref_slice %arg14[%dma_start3A_358, %dma_start3A_359] : memref<10000x128xf32, #tpu.memory_space<vmem_shared>> -> memref<10000x128xf32, #tpu.memory_space<vmem_shared>>
        tpu.enqueue_indirect_dma source(%arg12 : memref<128x128xf32, #tpu.memory_space<vmem>>) target(%dma_start3A_360 : memref<10000x128xf32, #tpu.memory_space<vmem_shared>>) offsets(%dma_start3A_357 : memref<128xi32, #tpu.memory_space<vmem>>) semaphore(%arg25 : memref<!tpu.dma_semaphore, #tpu.memory_space<semaphore_mem>>) {add = true}
      } else {
      }
      %sub3A_149 = arith.constant 1 : i32
      %sub3A_150 = arith.subi %add3A_140, %sub3A_149 : i32
      %mul3A_151 = arith.constant 32 : i32
      %mul3A_152 = arith.muli %sub3A_150, %mul3A_151 : i32
      %add3A_153 = arith.addi %add3A, %mul3A_152 : i32
      %lt3A_154 = arith.constant 2500 : i32
      %lt3A_155 = arith.cmpi slt, %add3A_153, %lt3A_154 : i32
      %convert_element_type3A_156 = arith.extui %lt3A_155 : i1 to i32
      %cond3A_157 = arith.constant 0 : i32
      %cond3A_158 = arith.cmpi ne, %convert_element_type3A_156, %cond3A_157 : i32
      scf.if %cond3A_158 {
        %dma_wait3A_347 = arith.constant 1 : i32
        %dma_wait3A_348 = arith.constant 0 : i32
        %dma_wait3A_349 = tpu.memref_slice %arg5[%dma_wait3A_347, %dma_wait3A_348] : memref<2x128xi32, #tpu.memory_space<vmem>> -> memref<1x128xi32, #tpu.memory_space<vmem>>
        %dma_wait3A_350 = tpu.memref_squeeze %dma_wait3A_349 : memref<1x128xi32, #tpu.memory_space<vmem>> -> memref<128xi32, #tpu.memory_space<vmem>>
        %dma_wait3A_351 = arith.constant 0 : i32
        %dma_wait3A_352 = arith.constant 0 : i32
        %dma_wait3A_353 = tpu.memref_slice %arg14[%dma_wait3A_351, %dma_wait3A_352] : memref<10000x128xf32, #tpu.memory_space<vmem_shared>> -> memref<10000x128xf32, #tpu.memory_space<vmem_shared>>
        tpu.wait_indirect_dma semaphore(%arg24 : memref<!tpu.dma_semaphore, #tpu.memory_space<semaphore_mem>>) src(%arg11 : memref<128x128xf32, #tpu.memory_space<vmem>>) dst(%dma_wait3A_353 : memref<10000x128xf32, #tpu.memory_space<vmem_shared>>)
      } else {
      }
      %add3A_159 = arith.constant 4 : i32
      %add3A_160 = arith.addi %add3A_140, %add3A_159 : i32
      %mul3A_161 = arith.constant 32 : i32
      %mul3A_162 = arith.muli %add3A_160, %mul3A_161 : i32
      %add3A_163 = arith.addi %add3A, %mul3A_162 : i32
      %lt3A_164 = arith.constant 2500 : i32
      %lt3A_165 = arith.cmpi slt, %add3A_163, %lt3A_164 : i32
      %convert_element_type3A_166 = arith.extui %lt3A_165 : i1 to i32
      %cond3A_167 = arith.constant 0 : i32
      %cond3A_168 = arith.cmpi ne, %convert_element_type3A_166, %cond3A_167 : i32
      scf.if %cond3A_168 {
        %add3A_347 = arith.constant 4 : i32
        %add3A_348 = arith.addi %add3A_140, %add3A_347 : i32
        %mul3A_349 = arith.constant 32 : i32
        %mul3A_350 = arith.muli %add3A_348, %mul3A_349 : i32
        %add3A_351 = arith.addi %add3A, %mul3A_350 : i32
        %dma_start3A_352 = arith.constant 0 : i32
        %dma_start3A_353 = arith.constant 0 : i32
        %dma_start3A_354 = tpu.memref_slice %arg3[%add3A_351, %dma_start3A_352, %dma_start3A_353] : memref<2500x2x128xi32, #tpu.memory_space<hbm>> -> memref<1x2x128xi32, #tpu.memory_space<hbm>>
        %dma_start3A_355 = tpu.memref_squeeze %dma_start3A_354 : memref<1x2x128xi32, #tpu.memory_space<hbm>> -> memref<2x128xi32, #tpu.memory_space<hbm>>
        %dma_start3A_356 = arith.constant 0 : i32
        %dma_start3A_357 = arith.constant 0 : i32
        %dma_start3A_358 = tpu.memref_slice %arg3[%add3A_351, %dma_start3A_356, %dma_start3A_357] : memref<2500x2x128xi32, #tpu.memory_space<hbm>> -> memref<1x2x128xi32, #tpu.memory_space<hbm>>
        %dma_start3A_359 = tpu.memref_squeeze %dma_start3A_358 : memref<1x2x128xi32, #tpu.memory_space<hbm>> -> memref<2x128xi32, #tpu.memory_space<hbm>>
        tpu.enqueue_dma source(%dma_start3A_359 : memref<2x128xi32, #tpu.memory_space<hbm>>) target(%arg10 : memref<2x128xi32, #tpu.memory_space<vmem>>) target_semaphore(%arg20 : memref<!tpu.dma_semaphore, #tpu.memory_space<semaphore_mem>>)
      } else {
      }
      %add3A_169 = arith.constant 2 : i32
      %add3A_170 = arith.addi %add3A_140, %add3A_169 : i32
      %mul3A_171 = arith.constant 32 : i32
      %mul3A_172 = arith.muli %add3A_170, %mul3A_171 : i32
      %add3A_173 = arith.addi %add3A, %mul3A_172 : i32
      %lt3A_174 = arith.constant 2500 : i32
      %lt3A_175 = arith.cmpi slt, %add3A_173, %lt3A_174 : i32
      %convert_element_type3A_176 = arith.extui %lt3A_175 : i1 to i32
      %cond3A_177 = arith.constant 0 : i32
      %cond3A_178 = arith.cmpi ne, %convert_element_type3A_176, %cond3A_177 : i32
      scf.if %cond3A_178 {
        %add3A_347 = arith.constant 2 : i32
        %add3A_348 = arith.addi %add3A_140, %add3A_347 : i32
        %mul3A_349 = arith.constant 32 : i32
        %mul3A_350 = arith.muli %add3A_348, %mul3A_349 : i32
        %add3A_351 = arith.addi %add3A, %mul3A_350 : i32
        %dma_wait3A_352 = arith.constant 0 : i32
        %dma_wait3A_353 = arith.constant 0 : i32
        %dma_wait3A_354 = tpu.memref_slice %arg3[%add3A_351, %dma_wait3A_352, %dma_wait3A_353] : memref<2500x2x128xi32, #tpu.memory_space<hbm>> -> memref<1x2x128xi32, #tpu.memory_space<hbm>>
        %dma_wait3A_355 = tpu.memref_squeeze %dma_wait3A_354 : memref<1x2x128xi32, #tpu.memory_space<hbm>> -> memref<2x128xi32, #tpu.memory_space<hbm>>
        %dma_wait3A_356 = arith.constant 0 : i32
        %dma_wait3A_357 = arith.constant 0 : i32
        %dma_wait3A_358 = tpu.memref_slice %arg3[%add3A_351, %dma_wait3A_356, %dma_wait3A_357] : memref<2500x2x128xi32, #tpu.memory_space<hbm>> -> memref<1x2x128xi32, #tpu.memory_space<hbm>>
        %dma_wait3A_359 = tpu.memref_squeeze %dma_wait3A_358 : memref<1x2x128xi32, #tpu.memory_space<hbm>> -> memref<2x128xi32, #tpu.memory_space<hbm>>
        tpu.wait_dma2 semaphore(%arg18 : memref<!tpu.dma_semaphore, #tpu.memory_space<semaphore_mem>>) src(%dma_wait3A_359 : memref<2x128xi32, #tpu.memory_space<hbm>>) dst(%arg8 : memref<2x128xi32, #tpu.memory_space<vmem>>)
        %dma_start3A_360 = arith.constant 0 : i32
        %dma_start3A_361 = arith.constant 0 : i32
        %dma_start3A_362 = tpu.memref_slice %arg8[%dma_start3A_360, %dma_start3A_361] : memref<2x128xi32, #tpu.memory_space<vmem>> -> memref<1x128xi32, #tpu.memory_space<vmem>>
        %dma_start3A_363 = tpu.memref_squeeze %dma_start3A_362 : memref<1x128xi32, #tpu.memory_space<vmem>> -> memref<128xi32, #tpu.memory_space<vmem>>
        %dma_start3A_364 = arith.constant 0 : i32
        %dma_start3A_365 = arith.constant 0 : i32
        %dma_start3A_366 = tpu.memref_slice %arg2[%dma_start3A_364, %dma_start3A_365] : memref<10000x128xf32, #tpu.memory_space<hbm>> -> memref<10000x128xf32, #tpu.memory_space<hbm>>
        tpu.enqueue_indirect_dma source(%dma_start3A_366 : memref<10000x128xf32, #tpu.memory_space<hbm>>) target(%arg11 : memref<128x128xf32, #tpu.memory_space<vmem>>) offsets(%dma_start3A_363 : memref<128xi32, #tpu.memory_space<vmem>>) semaphore(%arg21 : memref<!tpu.dma_semaphore, #tpu.memory_space<semaphore_mem>>)
      } else {
      }
      %mul3A_179 = arith.constant 6 : i32
      %mul3A_180 = arith.muli %add3A_97, %mul3A_179 : i32
      %add3A_181 = arith.constant 2 : i32
      %add3A_182 = arith.addi %mul3A_180, %add3A_181 : i32
      %mul3A_183 = arith.constant 32 : i32
      %mul3A_184 = arith.muli %add3A_182, %mul3A_183 : i32
      %add3A_185 = arith.addi %add3A, %mul3A_184 : i32
      %lt3A_186 = arith.constant 2500 : i32
      %lt3A_187 = arith.cmpi slt, %add3A_185, %lt3A_186 : i32
      %convert_element_type3A_188 = arith.extui %lt3A_187 : i1 to i32
      %cond3A_189 = arith.constant 0 : i32
      %cond3A_190 = arith.cmpi ne, %convert_element_type3A_188, %cond3A_189 : i32
      scf.if %cond3A_190 {
        %dma_wait3A_347 = arith.constant 0 : i32
        %dma_wait3A_348 = arith.constant 0 : i32
        %dma_wait3A_349 = tpu.memref_slice %arg7[%dma_wait3A_347, %dma_wait3A_348] : memref<2x128xi32, #tpu.memory_space<vmem>> -> memref<1x128xi32, #tpu.memory_space<vmem>>
        %dma_wait3A_350 = tpu.memref_squeeze %dma_wait3A_349 : memref<1x128xi32, #tpu.memory_space<vmem>> -> memref<128xi32, #tpu.memory_space<vmem>>
        %dma_wait3A_351 = arith.constant 0 : i32
        %dma_wait3A_352 = arith.constant 0 : i32
        %dma_wait3A_353 = tpu.memref_slice %arg2[%dma_wait3A_351, %dma_wait3A_352] : memref<10000x128xf32, #tpu.memory_space<hbm>> -> memref<10000x128xf32, #tpu.memory_space<hbm>>
        tpu.wait_indirect_dma semaphore(%arg23 : memref<!tpu.dma_semaphore, #tpu.memory_space<semaphore_mem>>) src(%dma_wait3A_353 : memref<10000x128xf32, #tpu.memory_space<hbm>>) dst(%arg13 : memref<128x128xf32, #tpu.memory_space<vmem>>)
        %dma_start3A_354 = arith.constant 1 : i32
        %dma_start3A_355 = arith.constant 0 : i32
        %dma_start3A_356 = tpu.memref_slice %arg7[%dma_start3A_354, %dma_start3A_355] : memref<2x128xi32, #tpu.memory_space<vmem>> -> memref<1x128xi32, #tpu.memory_space<vmem>>
        %dma_start3A_357 = tpu.memref_squeeze %dma_start3A_356 : memref<1x128xi32, #tpu.memory_space<vmem>> -> memref<128xi32, #tpu.memory_space<vmem>>
        %dma_start3A_358 = arith.constant 0 : i32
        %dma_start3A_359 = arith.constant 0 : i32
        %dma_start3A_360 = tpu.memref_slice %arg14[%dma_start3A_358, %dma_start3A_359] : memref<10000x128xf32, #tpu.memory_space<vmem_shared>> -> memref<10000x128xf32, #tpu.memory_space<vmem_shared>>
        tpu.enqueue_indirect_dma source(%arg13 : memref<128x128xf32, #tpu.memory_space<vmem>>) target(%dma_start3A_360 : memref<10000x128xf32, #tpu.memory_space<vmem_shared>>) offsets(%dma_start3A_357 : memref<128xi32, #tpu.memory_space<vmem>>) semaphore(%arg26 : memref<!tpu.dma_semaphore, #tpu.memory_space<semaphore_mem>>) {add = true}
      } else {
      }
      %sub3A_191 = arith.constant 1 : i32
      %sub3A_192 = arith.subi %add3A_182, %sub3A_191 : i32
      %mul3A_193 = arith.constant 32 : i32
      %mul3A_194 = arith.muli %sub3A_192, %mul3A_193 : i32
      %add3A_195 = arith.addi %add3A, %mul3A_194 : i32
      %lt3A_196 = arith.constant 2500 : i32
      %lt3A_197 = arith.cmpi slt, %add3A_195, %lt3A_196 : i32
      %convert_element_type3A_198 = arith.extui %lt3A_197 : i1 to i32
      %cond3A_199 = arith.constant 0 : i32
      %cond3A_200 = arith.cmpi ne, %convert_element_type3A_198, %cond3A_199 : i32
      scf.if %cond3A_200 {
        %dma_wait3A_347 = arith.constant 1 : i32
        %dma_wait3A_348 = arith.constant 0 : i32
        %dma_wait3A_349 = tpu.memref_slice %arg6[%dma_wait3A_347, %dma_wait3A_348] : memref<2x128xi32, #tpu.memory_space<vmem>> -> memref<1x128xi32, #tpu.memory_space<vmem>>
        %dma_wait3A_350 = tpu.memref_squeeze %dma_wait3A_349 : memref<1x128xi32, #tpu.memory_space<vmem>> -> memref<128xi32, #tpu.memory_space<vmem>>
        %dma_wait3A_351 = arith.constant 0 : i32
        %dma_wait3A_352 = arith.constant 0 : i32
        %dma_wait3A_353 = tpu.memref_slice %arg14[%dma_wait3A_351, %dma_wait3A_352] : memref<10000x128xf32, #tpu.memory_space<vmem_shared>> -> memref<10000x128xf32, #tpu.memory_space<vmem_shared>>
        tpu.wait_indirect_dma semaphore(%arg25 : memref<!tpu.dma_semaphore, #tpu.memory_space<semaphore_mem>>) src(%arg12 : memref<128x128xf32, #tpu.memory_space<vmem>>) dst(%dma_wait3A_353 : memref<10000x128xf32, #tpu.memory_space<vmem_shared>>)
      } else {
      }
      %add3A_201 = arith.constant 4 : i32
      %add3A_202 = arith.addi %add3A_182, %add3A_201 : i32
      %mul3A_203 = arith.constant 32 : i32
      %mul3A_204 = arith.muli %add3A_202, %mul3A_203 : i32
      %add3A_205 = arith.addi %add3A, %mul3A_204 : i32
      %lt3A_206 = arith.constant 2500 : i32
      %lt3A_207 = arith.cmpi slt, %add3A_205, %lt3A_206 : i32
      %convert_element_type3A_208 = arith.extui %lt3A_207 : i1 to i32
      %cond3A_209 = arith.constant 0 : i32
      %cond3A_210 = arith.cmpi ne, %convert_element_type3A_208, %cond3A_209 : i32
      scf.if %cond3A_210 {
        %add3A_347 = arith.constant 4 : i32
        %add3A_348 = arith.addi %add3A_182, %add3A_347 : i32
        %mul3A_349 = arith.constant 32 : i32
        %mul3A_350 = arith.muli %add3A_348, %mul3A_349 : i32
        %add3A_351 = arith.addi %add3A, %mul3A_350 : i32
        %dma_start3A_352 = arith.constant 0 : i32
        %dma_start3A_353 = arith.constant 0 : i32
        %dma_start3A_354 = tpu.memref_slice %arg3[%add3A_351, %dma_start3A_352, %dma_start3A_353] : memref<2500x2x128xi32, #tpu.memory_space<hbm>> -> memref<1x2x128xi32, #tpu.memory_space<hbm>>
        %dma_start3A_355 = tpu.memref_squeeze %dma_start3A_354 : memref<1x2x128xi32, #tpu.memory_space<hbm>> -> memref<2x128xi32, #tpu.memory_space<hbm>>
        %dma_start3A_356 = arith.constant 0 : i32
        %dma_start3A_357 = arith.constant 0 : i32
        %dma_start3A_358 = tpu.memref_slice %arg3[%add3A_351, %dma_start3A_356, %dma_start3A_357] : memref<2500x2x128xi32, #tpu.memory_space<hbm>> -> memref<1x2x128xi32, #tpu.memory_space<hbm>>
        %dma_start3A_359 = tpu.memref_squeeze %dma_start3A_358 : memref<1x2x128xi32, #tpu.memory_space<hbm>> -> memref<2x128xi32, #tpu.memory_space<hbm>>
        tpu.enqueue_dma source(%dma_start3A_359 : memref<2x128xi32, #tpu.memory_space<hbm>>) target(%arg5 : memref<2x128xi32, #tpu.memory_space<vmem>>) target_semaphore(%arg15 : memref<!tpu.dma_semaphore, #tpu.memory_space<semaphore_mem>>)
      } else {
      }
      %add3A_211 = arith.constant 2 : i32
      %add3A_212 = arith.addi %add3A_182, %add3A_211 : i32
      %mul3A_213 = arith.constant 32 : i32
      %mul3A_214 = arith.muli %add3A_212, %mul3A_213 : i32
      %add3A_215 = arith.addi %add3A, %mul3A_214 : i32
      %lt3A_216 = arith.constant 2500 : i32
      %lt3A_217 = arith.cmpi slt, %add3A_215, %lt3A_216 : i32
      %convert_element_type3A_218 = arith.extui %lt3A_217 : i1 to i32
      %cond3A_219 = arith.constant 0 : i32
      %cond3A_220 = arith.cmpi ne, %convert_element_type3A_218, %cond3A_219 : i32
      scf.if %cond3A_220 {
        %add3A_347 = arith.constant 2 : i32
        %add3A_348 = arith.addi %add3A_182, %add3A_347 : i32
        %mul3A_349 = arith.constant 32 : i32
        %mul3A_350 = arith.muli %add3A_348, %mul3A_349 : i32
        %add3A_351 = arith.addi %add3A, %mul3A_350 : i32
        %dma_wait3A_352 = arith.constant 0 : i32
        %dma_wait3A_353 = arith.constant 0 : i32
        %dma_wait3A_354 = tpu.memref_slice %arg3[%add3A_351, %dma_wait3A_352, %dma_wait3A_353] : memref<2500x2x128xi32, #tpu.memory_space<hbm>> -> memref<1x2x128xi32, #tpu.memory_space<hbm>>
        %dma_wait3A_355 = tpu.memref_squeeze %dma_wait3A_354 : memref<1x2x128xi32, #tpu.memory_space<hbm>> -> memref<2x128xi32, #tpu.memory_space<hbm>>
        %dma_wait3A_356 = arith.constant 0 : i32
        %dma_wait3A_357 = arith.constant 0 : i32
        %dma_wait3A_358 = tpu.memref_slice %arg3[%add3A_351, %dma_wait3A_356, %dma_wait3A_357] : memref<2500x2x128xi32, #tpu.memory_space<hbm>> -> memref<1x2x128xi32, #tpu.memory_space<hbm>>
        %dma_wait3A_359 = tpu.memref_squeeze %dma_wait3A_358 : memref<1x2x128xi32, #tpu.memory_space<hbm>> -> memref<2x128xi32, #tpu.memory_space<hbm>>
        tpu.wait_dma2 semaphore(%arg19 : memref<!tpu.dma_semaphore, #tpu.memory_space<semaphore_mem>>) src(%dma_wait3A_359 : memref<2x128xi32, #tpu.memory_space<hbm>>) dst(%arg9 : memref<2x128xi32, #tpu.memory_space<vmem>>)
        %dma_start3A_360 = arith.constant 0 : i32
        %dma_start3A_361 = arith.constant 0 : i32
        %dma_start3A_362 = tpu.memref_slice %arg9[%dma_start3A_360, %dma_start3A_361] : memref<2x128xi32, #tpu.memory_space<vmem>> -> memref<1x128xi32, #tpu.memory_space<vmem>>
        %dma_start3A_363 = tpu.memref_squeeze %dma_start3A_362 : memref<1x128xi32, #tpu.memory_space<vmem>> -> memref<128xi32, #tpu.memory_space<vmem>>
        %dma_start3A_364 = arith.constant 0 : i32
        %dma_start3A_365 = arith.constant 0 : i32
        %dma_start3A_366 = tpu.memref_slice %arg2[%dma_start3A_364, %dma_start3A_365] : memref<10000x128xf32, #tpu.memory_space<hbm>> -> memref<10000x128xf32, #tpu.memory_space<hbm>>
        tpu.enqueue_indirect_dma source(%dma_start3A_366 : memref<10000x128xf32, #tpu.memory_space<hbm>>) target(%arg12 : memref<128x128xf32, #tpu.memory_space<vmem>>) offsets(%dma_start3A_363 : memref<128xi32, #tpu.memory_space<vmem>>) semaphore(%arg22 : memref<!tpu.dma_semaphore, #tpu.memory_space<semaphore_mem>>)
      } else {
      }
      %mul3A_221 = arith.constant 6 : i32
      %mul3A_222 = arith.muli %add3A_97, %mul3A_221 : i32
      %add3A_223 = arith.constant 3 : i32
      %add3A_224 = arith.addi %mul3A_222, %add3A_223 : i32
      %mul3A_225 = arith.constant 32 : i32
      %mul3A_226 = arith.muli %add3A_224, %mul3A_225 : i32
      %add3A_227 = arith.addi %add3A, %mul3A_226 : i32
      %lt3A_228 = arith.constant 2500 : i32
      %lt3A_229 = arith.cmpi slt, %add3A_227, %lt3A_228 : i32
      %convert_element_type3A_230 = arith.extui %lt3A_229 : i1 to i32
      %cond3A_231 = arith.constant 0 : i32
      %cond3A_232 = arith.cmpi ne, %convert_element_type3A_230, %cond3A_231 : i32
      scf.if %cond3A_232 {
        %dma_wait3A_347 = arith.constant 0 : i32
        %dma_wait3A_348 = arith.constant 0 : i32
        %dma_wait3A_349 = tpu.memref_slice %arg8[%dma_wait3A_347, %dma_wait3A_348] : memref<2x128xi32, #tpu.memory_space<vmem>> -> memref<1x128xi32, #tpu.memory_space<vmem>>
        %dma_wait3A_350 = tpu.memref_squeeze %dma_wait3A_349 : memref<1x128xi32, #tpu.memory_space<vmem>> -> memref<128xi32, #tpu.memory_space<vmem>>
        %dma_wait3A_351 = arith.constant 0 : i32
        %dma_wait3A_352 = arith.constant 0 : i32
        %dma_wait3A_353 = tpu.memref_slice %arg2[%dma_wait3A_351, %dma_wait3A_352] : memref<10000x128xf32, #tpu.memory_space<hbm>> -> memref<10000x128xf32, #tpu.memory_space<hbm>>
        tpu.wait_indirect_dma semaphore(%arg21 : memref<!tpu.dma_semaphore, #tpu.memory_space<semaphore_mem>>) src(%dma_wait3A_353 : memref<10000x128xf32, #tpu.memory_space<hbm>>) dst(%arg11 : memref<128x128xf32, #tpu.memory_space<vmem>>)
        %dma_start3A_354 = arith.constant 1 : i32
        %dma_start3A_355 = arith.constant 0 : i32
        %dma_start3A_356 = tpu.memref_slice %arg8[%dma_start3A_354, %dma_start3A_355] : memref<2x128xi32, #tpu.memory_space<vmem>> -> memref<1x128xi32, #tpu.memory_space<vmem>>
        %dma_start3A_357 = tpu.memref_squeeze %dma_start3A_356 : memref<1x128xi32, #tpu.memory_space<vmem>> -> memref<128xi32, #tpu.memory_space<vmem>>
        %dma_start3A_358 = arith.constant 0 : i32
        %dma_start3A_359 = arith.constant 0 : i32
        %dma_start3A_360 = tpu.memref_slice %arg14[%dma_start3A_358, %dma_start3A_359] : memref<10000x128xf32, #tpu.memory_space<vmem_shared>> -> memref<10000x128xf32, #tpu.memory_space<vmem_shared>>
        tpu.enqueue_indirect_dma source(%arg11 : memref<128x128xf32, #tpu.memory_space<vmem>>) target(%dma_start3A_360 : memref<10000x128xf32, #tpu.memory_space<vmem_shared>>) offsets(%dma_start3A_357 : memref<128xi32, #tpu.memory_space<vmem>>) semaphore(%arg24 : memref<!tpu.dma_semaphore, #tpu.memory_space<semaphore_mem>>) {add = true}
      } else {
      }
      %sub3A_233 = arith.constant 1 : i32
      %sub3A_234 = arith.subi %add3A_224, %sub3A_233 : i32
      %mul3A_235 = arith.constant 32 : i32
      %mul3A_236 = arith.muli %sub3A_234, %mul3A_235 : i32
      %add3A_237 = arith.addi %add3A, %mul3A_236 : i32
      %lt3A_238 = arith.constant 2500 : i32
      %lt3A_239 = arith.cmpi slt, %add3A_237, %lt3A_238 : i32
      %convert_element_type3A_240 = arith.extui %lt3A_239 : i1 to i32
      %cond3A_241 = arith.constant 0 : i32
      %cond3A_242 = arith.cmpi ne, %convert_element_type3A_240, %cond3A_241 : i32
      scf.if %cond3A_242 {
        %dma_wait3A_347 = arith.constant 1 : i32
        %dma_wait3A_348 = arith.constant 0 : i32
        %dma_wait3A_349 = tpu.memref_slice %arg7[%dma_wait3A_347, %dma_wait3A_348] : memref<2x128xi32, #tpu.memory_space<vmem>> -> memref<1x128xi32, #tpu.memory_space<vmem>>
        %dma_wait3A_350 = tpu.memref_squeeze %dma_wait3A_349 : memref<1x128xi32, #tpu.memory_space<vmem>> -> memref<128xi32, #tpu.memory_space<vmem>>
        %dma_wait3A_351 = arith.constant 0 : i32
        %dma_wait3A_352 = arith.constant 0 : i32
        %dma_wait3A_353 = tpu.memref_slice %arg14[%dma_wait3A_351, %dma_wait3A_352] : memref<10000x128xf32, #tpu.memory_space<vmem_shared>> -> memref<10000x128xf32, #tpu.memory_space<vmem_shared>>
        tpu.wait_indirect_dma semaphore(%arg26 : memref<!tpu.dma_semaphore, #tpu.memory_space<semaphore_mem>>) src(%arg13 : memref<128x128xf32, #tpu.memory_space<vmem>>) dst(%dma_wait3A_353 : memref<10000x128xf32, #tpu.memory_space<vmem_shared>>)
      } else {
      }
      %add3A_243 = arith.constant 4 : i32
      %add3A_244 = arith.addi %add3A_224, %add3A_243 : i32
      %mul3A_245 = arith.constant 32 : i32
      %mul3A_246 = arith.muli %add3A_244, %mul3A_245 : i32
      %add3A_247 = arith.addi %add3A, %mul3A_246 : i32
      %lt3A_248 = arith.constant 2500 : i32
      %lt3A_249 = arith.cmpi slt, %add3A_247, %lt3A_248 : i32
      %convert_element_type3A_250 = arith.extui %lt3A_249 : i1 to i32
      %cond3A_251 = arith.constant 0 : i32
      %cond3A_252 = arith.cmpi ne, %convert_element_type3A_250, %cond3A_251 : i32
      scf.if %cond3A_252 {
        %add3A_347 = arith.constant 4 : i32
        %add3A_348 = arith.addi %add3A_224, %add3A_347 : i32
        %mul3A_349 = arith.constant 32 : i32
        %mul3A_350 = arith.muli %add3A_348, %mul3A_349 : i32
        %add3A_351 = arith.addi %add3A, %mul3A_350 : i32
        %dma_start3A_352 = arith.constant 0 : i32
        %dma_start3A_353 = arith.constant 0 : i32
        %dma_start3A_354 = tpu.memref_slice %arg3[%add3A_351, %dma_start3A_352, %dma_start3A_353] : memref<2500x2x128xi32, #tpu.memory_space<hbm>> -> memref<1x2x128xi32, #tpu.memory_space<hbm>>
        %dma_start3A_355 = tpu.memref_squeeze %dma_start3A_354 : memref<1x2x128xi32, #tpu.memory_space<hbm>> -> memref<2x128xi32, #tpu.memory_space<hbm>>
        %dma_start3A_356 = arith.constant 0 : i32
        %dma_start3A_357 = arith.constant 0 : i32
        %dma_start3A_358 = tpu.memref_slice %arg3[%add3A_351, %dma_start3A_356, %dma_start3A_357] : memref<2500x2x128xi32, #tpu.memory_space<hbm>> -> memref<1x2x128xi32, #tpu.memory_space<hbm>>
        %dma_start3A_359 = tpu.memref_squeeze %dma_start3A_358 : memref<1x2x128xi32, #tpu.memory_space<hbm>> -> memref<2x128xi32, #tpu.memory_space<hbm>>
        tpu.enqueue_dma source(%dma_start3A_359 : memref<2x128xi32, #tpu.memory_space<hbm>>) target(%arg6 : memref<2x128xi32, #tpu.memory_space<vmem>>) target_semaphore(%arg16 : memref<!tpu.dma_semaphore, #tpu.memory_space<semaphore_mem>>)
      } else {
      }
      %add3A_253 = arith.constant 2 : i32
      %add3A_254 = arith.addi %add3A_224, %add3A_253 : i32
      %mul3A_255 = arith.constant 32 : i32
      %mul3A_256 = arith.muli %add3A_254, %mul3A_255 : i32
      %add3A_257 = arith.addi %add3A, %mul3A_256 : i32
      %lt3A_258 = arith.constant 2500 : i32
      %lt3A_259 = arith.cmpi slt, %add3A_257, %lt3A_258 : i32
      %convert_element_type3A_260 = arith.extui %lt3A_259 : i1 to i32
      %cond3A_261 = arith.constant 0 : i32
      %cond3A_262 = arith.cmpi ne, %convert_element_type3A_260, %cond3A_261 : i32
      scf.if %cond3A_262 {
        %add3A_347 = arith.constant 2 : i32
        %add3A_348 = arith.addi %add3A_224, %add3A_347 : i32
        %mul3A_349 = arith.constant 32 : i32
        %mul3A_350 = arith.muli %add3A_348, %mul3A_349 : i32
        %add3A_351 = arith.addi %add3A, %mul3A_350 : i32
        %dma_wait3A_352 = arith.constant 0 : i32
        %dma_wait3A_353 = arith.constant 0 : i32
        %dma_wait3A_354 = tpu.memref_slice %arg3[%add3A_351, %dma_wait3A_352, %dma_wait3A_353] : memref<2500x2x128xi32, #tpu.memory_space<hbm>> -> memref<1x2x128xi32, #tpu.memory_space<hbm>>
        %dma_wait3A_355 = tpu.memref_squeeze %dma_wait3A_354 : memref<1x2x128xi32, #tpu.memory_space<hbm>> -> memref<2x128xi32, #tpu.memory_space<hbm>>
        %dma_wait3A_356 = arith.constant 0 : i32
        %dma_wait3A_357 = arith.constant 0 : i32
        %dma_wait3A_358 = tpu.memref_slice %arg3[%add3A_351, %dma_wait3A_356, %dma_wait3A_357] : memref<2500x2x128xi32, #tpu.memory_space<hbm>> -> memref<1x2x128xi32, #tpu.memory_space<hbm>>
        %dma_wait3A_359 = tpu.memref_squeeze %dma_wait3A_358 : memref<1x2x128xi32, #tpu.memory_space<hbm>> -> memref<2x128xi32, #tpu.memory_space<hbm>>
        tpu.wait_dma2 semaphore(%arg20 : memref<!tpu.dma_semaphore, #tpu.memory_space<semaphore_mem>>) src(%dma_wait3A_359 : memref<2x128xi32, #tpu.memory_space<hbm>>) dst(%arg10 : memref<2x128xi32, #tpu.memory_space<vmem>>)
        %dma_start3A_360 = arith.constant 0 : i32
        %dma_start3A_361 = arith.constant 0 : i32
        %dma_start3A_362 = tpu.memref_slice %arg10[%dma_start3A_360, %dma_start3A_361] : memref<2x128xi32, #tpu.memory_space<vmem>> -> memref<1x128xi32, #tpu.memory_space<vmem>>
        %dma_start3A_363 = tpu.memref_squeeze %dma_start3A_362 : memref<1x128xi32, #tpu.memory_space<vmem>> -> memref<128xi32, #tpu.memory_space<vmem>>
        %dma_start3A_364 = arith.constant 0 : i32
        %dma_start3A_365 = arith.constant 0 : i32
        %dma_start3A_366 = tpu.memref_slice %arg2[%dma_start3A_364, %dma_start3A_365] : memref<10000x128xf32, #tpu.memory_space<hbm>> -> memref<10000x128xf32, #tpu.memory_space<hbm>>
        tpu.enqueue_indirect_dma source(%dma_start3A_366 : memref<10000x128xf32, #tpu.memory_space<hbm>>) target(%arg13 : memref<128x128xf32, #tpu.memory_space<vmem>>) offsets(%dma_start3A_363 : memref<128xi32, #tpu.memory_space<vmem>>) semaphore(%arg23 : memref<!tpu.dma_semaphore, #tpu.memory_space<semaphore_mem>>)
      } else {
      }
      %mul3A_263 = arith.constant 6 : i32
      %mul3A_264 = arith.muli %add3A_97, %mul3A_263 : i32
      %add3A_265 = arith.constant 4 : i32
      %add3A_266 = arith.addi %mul3A_264, %add3A_265 : i32
      %mul3A_267 = arith.constant 32 : i32
      %mul3A_268 = arith.muli %add3A_266, %mul3A_267 : i32
      %add3A_269 = arith.addi %add3A, %mul3A_268 : i32
      %lt3A_270 = arith.constant 2500 : i32
      %lt3A_271 = arith.cmpi slt, %add3A_269, %lt3A_270 : i32
      %convert_element_type3A_272 = arith.extui %lt3A_271 : i1 to i32
      %cond3A_273 = arith.constant 0 : i32
      %cond3A_274 = arith.cmpi ne, %convert_element_type3A_272, %cond3A_273 : i32
      scf.if %cond3A_274 {
        %dma_wait3A_347 = arith.constant 0 : i32
        %dma_wait3A_348 = arith.constant 0 : i32
        %dma_wait3A_349 = tpu.memref_slice %arg9[%dma_wait3A_347, %dma_wait3A_348] : memref<2x128xi32, #tpu.memory_space<vmem>> -> memref<1x128xi32, #tpu.memory_space<vmem>>
        %dma_wait3A_350 = tpu.memref_squeeze %dma_wait3A_349 : memref<1x128xi32, #tpu.memory_space<vmem>> -> memref<128xi32, #tpu.memory_space<vmem>>
        %dma_wait3A_351 = arith.constant 0 : i32
        %dma_wait3A_352 = arith.constant 0 : i32
        %dma_wait3A_353 = tpu.memref_slice %arg2[%dma_wait3A_351, %dma_wait3A_352] : memref<10000x128xf32, #tpu.memory_space<hbm>> -> memref<10000x128xf32, #tpu.memory_space<hbm>>
        tpu.wait_indirect_dma semaphore(%arg22 : memref<!tpu.dma_semaphore, #tpu.memory_space<semaphore_mem>>) src(%dma_wait3A_353 : memref<10000x128xf32, #tpu.memory_space<hbm>>) dst(%arg12 : memref<128x128xf32, #tpu.memory_space<vmem>>)
        %dma_start3A_354 = arith.constant 1 : i32
        %dma_start3A_355 = arith.constant 0 : i32
        %dma_start3A_356 = tpu.memref_slice %arg9[%dma_start3A_354, %dma_start3A_355] : memref<2x128xi32, #tpu.memory_space<vmem>> -> memref<1x128xi32, #tpu.memory_space<vmem>>
        %dma_start3A_357 = tpu.memref_squeeze %dma_start3A_356 : memref<1x128xi32, #tpu.memory_space<vmem>> -> memref<128xi32, #tpu.memory_space<vmem>>
        %dma_start3A_358 = arith.constant 0 : i32
        %dma_start3A_359 = arith.constant 0 : i32
        %dma_start3A_360 = tpu.memref_slice %arg14[%dma_start3A_358, %dma_start3A_359] : memref<10000x128xf32, #tpu.memory_space<vmem_shared>> -> memref<10000x128xf32, #tpu.memory_space<vmem_shared>>
        tpu.enqueue_indirect_dma source(%arg12 : memref<128x128xf32, #tpu.memory_space<vmem>>) target(%dma_start3A_360 : memref<10000x128xf32, #tpu.memory_space<vmem_shared>>) offsets(%dma_start3A_357 : memref<128xi32, #tpu.memory_space<vmem>>) semaphore(%arg25 : memref<!tpu.dma_semaphore, #tpu.memory_space<semaphore_mem>>) {add = true}
      } else {
      }
      %sub3A_275 = arith.constant 1 : i32
      %sub3A_276 = arith.subi %add3A_266, %sub3A_275 : i32
      %mul3A_277 = arith.constant 32 : i32
      %mul3A_278 = arith.muli %sub3A_276, %mul3A_277 : i32
      %add3A_279 = arith.addi %add3A, %mul3A_278 : i32
      %lt3A_280 = arith.constant 2500 : i32
      %lt3A_281 = arith.cmpi slt, %add3A_279, %lt3A_280 : i32
      %convert_element_type3A_282 = arith.extui %lt3A_281 : i1 to i32
      %cond3A_283 = arith.constant 0 : i32
      %cond3A_284 = arith.cmpi ne, %convert_element_type3A_282, %cond3A_283 : i32
      scf.if %cond3A_284 {
        %dma_wait3A_347 = arith.constant 1 : i32
        %dma_wait3A_348 = arith.constant 0 : i32
        %dma_wait3A_349 = tpu.memref_slice %arg8[%dma_wait3A_347, %dma_wait3A_348] : memref<2x128xi32, #tpu.memory_space<vmem>> -> memref<1x128xi32, #tpu.memory_space<vmem>>
        %dma_wait3A_350 = tpu.memref_squeeze %dma_wait3A_349 : memref<1x128xi32, #tpu.memory_space<vmem>> -> memref<128xi32, #tpu.memory_space<vmem>>
        %dma_wait3A_351 = arith.constant 0 : i32
        %dma_wait3A_352 = arith.constant 0 : i32
        %dma_wait3A_353 = tpu.memref_slice %arg14[%dma_wait3A_351, %dma_wait3A_352] : memref<10000x128xf32, #tpu.memory_space<vmem_shared>> -> memref<10000x128xf32, #tpu.memory_space<vmem_shared>>
        tpu.wait_indirect_dma semaphore(%arg24 : memref<!tpu.dma_semaphore, #tpu.memory_space<semaphore_mem>>) src(%arg11 : memref<128x128xf32, #tpu.memory_space<vmem>>) dst(%dma_wait3A_353 : memref<10000x128xf32, #tpu.memory_space<vmem_shared>>)
      } else {
      }
      %add3A_285 = arith.constant 4 : i32
      %add3A_286 = arith.addi %add3A_266, %add3A_285 : i32
      %mul3A_287 = arith.constant 32 : i32
      %mul3A_288 = arith.muli %add3A_286, %mul3A_287 : i32
      %add3A_289 = arith.addi %add3A, %mul3A_288 : i32
      %lt3A_290 = arith.constant 2500 : i32
      %lt3A_291 = arith.cmpi slt, %add3A_289, %lt3A_290 : i32
      %convert_element_type3A_292 = arith.extui %lt3A_291 : i1 to i32
      %cond3A_293 = arith.constant 0 : i32
      %cond3A_294 = arith.cmpi ne, %convert_element_type3A_292, %cond3A_293 : i32
      scf.if %cond3A_294 {
        %add3A_347 = arith.constant 4 : i32
        %add3A_348 = arith.addi %add3A_266, %add3A_347 : i32
        %mul3A_349 = arith.constant 32 : i32
        %mul3A_350 = arith.muli %add3A_348, %mul3A_349 : i32
        %add3A_351 = arith.addi %add3A, %mul3A_350 : i32
        %dma_start3A_352 = arith.constant 0 : i32
        %dma_start3A_353 = arith.constant 0 : i32
        %dma_start3A_354 = tpu.memref_slice %arg3[%add3A_351, %dma_start3A_352, %dma_start3A_353] : memref<2500x2x128xi32, #tpu.memory_space<hbm>> -> memref<1x2x128xi32, #tpu.memory_space<hbm>>
        %dma_start3A_355 = tpu.memref_squeeze %dma_start3A_354 : memref<1x2x128xi32, #tpu.memory_space<hbm>> -> memref<2x128xi32, #tpu.memory_space<hbm>>
        %dma_start3A_356 = arith.constant 0 : i32
        %dma_start3A_357 = arith.constant 0 : i32
        %dma_start3A_358 = tpu.memref_slice %arg3[%add3A_351, %dma_start3A_356, %dma_start3A_357] : memref<2500x2x128xi32, #tpu.memory_space<hbm>> -> memref<1x2x128xi32, #tpu.memory_space<hbm>>
        %dma_start3A_359 = tpu.memref_squeeze %dma_start3A_358 : memref<1x2x128xi32, #tpu.memory_space<hbm>> -> memref<2x128xi32, #tpu.memory_space<hbm>>
        tpu.enqueue_dma source(%dma_start3A_359 : memref<2x128xi32, #tpu.memory_space<hbm>>) target(%arg7 : memref<2x128xi32, #tpu.memory_space<vmem>>) target_semaphore(%arg17 : memref<!tpu.dma_semaphore, #tpu.memory_space<semaphore_mem>>)
      } else {
      }
      %add3A_295 = arith.constant 2 : i32
      %add3A_296 = arith.addi %add3A_266, %add3A_295 : i32
      %mul3A_297 = arith.constant 32 : i32
      %mul3A_298 = arith.muli %add3A_296, %mul3A_297 : i32
      %add3A_299 = arith.addi %add3A, %mul3A_298 : i32
      %lt3A_300 = arith.constant 2500 : i32
      %lt3A_301 = arith.cmpi slt, %add3A_299, %lt3A_300 : i32
      %convert_element_type3A_302 = arith.extui %lt3A_301 : i1 to i32
      %cond3A_303 = arith.constant 0 : i32
      %cond3A_304 = arith.cmpi ne, %convert_element_type3A_302, %cond3A_303 : i32
      scf.if %cond3A_304 {
        %add3A_347 = arith.constant 2 : i32
        %add3A_348 = arith.addi %add3A_266, %add3A_347 : i32
        %mul3A_349 = arith.constant 32 : i32
        %mul3A_350 = arith.muli %add3A_348, %mul3A_349 : i32
        %add3A_351 = arith.addi %add3A, %mul3A_350 : i32
        %dma_wait3A_352 = arith.constant 0 : i32
        %dma_wait3A_353 = arith.constant 0 : i32
        %dma_wait3A_354 = tpu.memref_slice %arg3[%add3A_351, %dma_wait3A_352, %dma_wait3A_353] : memref<2500x2x128xi32, #tpu.memory_space<hbm>> -> memref<1x2x128xi32, #tpu.memory_space<hbm>>
        %dma_wait3A_355 = tpu.memref_squeeze %dma_wait3A_354 : memref<1x2x128xi32, #tpu.memory_space<hbm>> -> memref<2x128xi32, #tpu.memory_space<hbm>>
        %dma_wait3A_356 = arith.constant 0 : i32
        %dma_wait3A_357 = arith.constant 0 : i32
        %dma_wait3A_358 = tpu.memref_slice %arg3[%add3A_351, %dma_wait3A_356, %dma_wait3A_357] : memref<2500x2x128xi32, #tpu.memory_space<hbm>> -> memref<1x2x128xi32, #tpu.memory_space<hbm>>
        %dma_wait3A_359 = tpu.memref_squeeze %dma_wait3A_358 : memref<1x2x128xi32, #tpu.memory_space<hbm>> -> memref<2x128xi32, #tpu.memory_space<hbm>>
        tpu.wait_dma2 semaphore(%arg15 : memref<!tpu.dma_semaphore, #tpu.memory_space<semaphore_mem>>) src(%dma_wait3A_359 : memref<2x128xi32, #tpu.memory_space<hbm>>) dst(%arg5 : memref<2x128xi32, #tpu.memory_space<vmem>>)
        %dma_start3A_360 = arith.constant 0 : i32
        %dma_start3A_361 = arith.constant 0 : i32
        %dma_start3A_362 = tpu.memref_slice %arg5[%dma_start3A_360, %dma_start3A_361] : memref<2x128xi32, #tpu.memory_space<vmem>> -> memref<1x128xi32, #tpu.memory_space<vmem>>
        %dma_start3A_363 = tpu.memref_squeeze %dma_start3A_362 : memref<1x128xi32, #tpu.memory_space<vmem>> -> memref<128xi32, #tpu.memory_space<vmem>>
        %dma_start3A_364 = arith.constant 0 : i32
        %dma_start3A_365 = arith.constant 0 : i32
        %dma_start3A_366 = tpu.memref_slice %arg2[%dma_start3A_364, %dma_start3A_365] : memref<10000x128xf32, #tpu.memory_space<hbm>> -> memref<10000x128xf32, #tpu.memory_space<hbm>>
        tpu.enqueue_indirect_dma source(%dma_start3A_366 : memref<10000x128xf32, #tpu.memory_space<hbm>>) target(%arg11 : memref<128x128xf32, #tpu.memory_space<vmem>>) offsets(%dma_start3A_363 : memref<128xi32, #tpu.memory_space<vmem>>) semaphore(%arg21 : memref<!tpu.dma_semaphore, #tpu.memory_space<semaphore_mem>>)
      } else {
      }
      %mul3A_305 = arith.constant 6 : i32
      %mul3A_306 = arith.muli %add3A_97, %mul3A_305 : i32
      %add3A_307 = arith.constant 5 : i32
      %add3A_308 = arith.addi %mul3A_306, %add3A_307 : i32
      %mul3A_309 = arith.constant 32 : i32
      %mul3A_310 = arith.muli %add3A_308, %mul3A_309 : i32
      %add3A_311 = arith.addi %add3A, %mul3A_310 : i32
      %lt3A_312 = arith.constant 2500 : i32
      %lt3A_313 = arith.cmpi slt, %add3A_311, %lt3A_312 : i32
      %convert_element_type3A_314 = arith.extui %lt3A_313 : i1 to i32
      %cond3A_315 = arith.constant 0 : i32
      %cond3A_316 = arith.cmpi ne, %convert_element_type3A_314, %cond3A_315 : i32
      scf.if %cond3A_316 {
        %dma_wait3A_347 = arith.constant 0 : i32
        %dma_wait3A_348 = arith.constant 0 : i32
        %dma_wait3A_349 = tpu.memref_slice %arg10[%dma_wait3A_347, %dma_wait3A_348] : memref<2x128xi32, #tpu.memory_space<vmem>> -> memref<1x128xi32, #tpu.memory_space<vmem>>
        %dma_wait3A_350 = tpu.memref_squeeze %dma_wait3A_349 : memref<1x128xi32, #tpu.memory_space<vmem>> -> memref<128xi32, #tpu.memory_space<vmem>>
        %dma_wait3A_351 = arith.constant 0 : i32
        %dma_wait3A_352 = arith.constant 0 : i32
        %dma_wait3A_353 = tpu.memref_slice %arg2[%dma_wait3A_351, %dma_wait3A_352] : memref<10000x128xf32, #tpu.memory_space<hbm>> -> memref<10000x128xf32, #tpu.memory_space<hbm>>
        tpu.wait_indirect_dma semaphore(%arg23 : memref<!tpu.dma_semaphore, #tpu.memory_space<semaphore_mem>>) src(%dma_wait3A_353 : memref<10000x128xf32, #tpu.memory_space<hbm>>) dst(%arg13 : memref<128x128xf32, #tpu.memory_space<vmem>>)
        %dma_start3A_354 = arith.constant 1 : i32
        %dma_start3A_355 = arith.constant 0 : i32
        %dma_start3A_356 = tpu.memref_slice %arg10[%dma_start3A_354, %dma_start3A_355] : memref<2x128xi32, #tpu.memory_space<vmem>> -> memref<1x128xi32, #tpu.memory_space<vmem>>
        %dma_start3A_357 = tpu.memref_squeeze %dma_start3A_356 : memref<1x128xi32, #tpu.memory_space<vmem>> -> memref<128xi32, #tpu.memory_space<vmem>>
        %dma_start3A_358 = arith.constant 0 : i32
        %dma_start3A_359 = arith.constant 0 : i32
        %dma_start3A_360 = tpu.memref_slice %arg14[%dma_start3A_358, %dma_start3A_359] : memref<10000x128xf32, #tpu.memory_space<vmem_shared>> -> memref<10000x128xf32, #tpu.memory_space<vmem_shared>>
        tpu.enqueue_indirect_dma source(%arg13 : memref<128x128xf32, #tpu.memory_space<vmem>>) target(%dma_start3A_360 : memref<10000x128xf32, #tpu.memory_space<vmem_shared>>) offsets(%dma_start3A_357 : memref<128xi32, #tpu.memory_space<vmem>>) semaphore(%arg26 : memref<!tpu.dma_semaphore, #tpu.memory_space<semaphore_mem>>) {add = true}
      } else {
      }
      %sub3A_317 = arith.constant 1 : i32
      %sub3A_318 = arith.subi %add3A_308, %sub3A_317 : i32
      %mul3A_319 = arith.constant 32 : i32
      %mul3A_320 = arith.muli %sub3A_318, %mul3A_319 : i32
      %add3A_321 = arith.addi %add3A, %mul3A_320 : i32
      %lt3A_322 = arith.constant 2500 : i32
      %lt3A_323 = arith.cmpi slt, %add3A_321, %lt3A_322 : i32
      %convert_element_type3A_324 = arith.extui %lt3A_323 : i1 to i32
      %cond3A_325 = arith.constant 0 : i32
      %cond3A_326 = arith.cmpi ne, %convert_element_type3A_324, %cond3A_325 : i32
      scf.if %cond3A_326 {
        %dma_wait3A_347 = arith.constant 1 : i32
        %dma_wait3A_348 = arith.constant 0 : i32
        %dma_wait3A_349 = tpu.memref_slice %arg9[%dma_wait3A_347, %dma_wait3A_348] : memref<2x128xi32, #tpu.memory_space<vmem>> -> memref<1x128xi32, #tpu.memory_space<vmem>>
        %dma_wait3A_350 = tpu.memref_squeeze %dma_wait3A_349 : memref<1x128xi32, #tpu.memory_space<vmem>> -> memref<128xi32, #tpu.memory_space<vmem>>
        %dma_wait3A_351 = arith.constant 0 : i32
        %dma_wait3A_352 = arith.constant 0 : i32
        %dma_wait3A_353 = tpu.memref_slice %arg14[%dma_wait3A_351, %dma_wait3A_352] : memref<10000x128xf32, #tpu.memory_space<vmem_shared>> -> memref<10000x128xf32, #tpu.memory_space<vmem_shared>>
        tpu.wait_indirect_dma semaphore(%arg25 : memref<!tpu.dma_semaphore, #tpu.memory_space<semaphore_mem>>) src(%arg12 : memref<128x128xf32, #tpu.memory_space<vmem>>) dst(%dma_wait3A_353 : memref<10000x128xf32, #tpu.memory_space<vmem_shared>>)
      } else {
      }
      %add3A_327 = arith.constant 4 : i32
      %add3A_328 = arith.addi %add3A_308, %add3A_327 : i32
      %mul3A_329 = arith.constant 32 : i32
      %mul3A_330 = arith.muli %add3A_328, %mul3A_329 : i32
      %add3A_331 = arith.addi %add3A, %mul3A_330 : i32
      %lt3A_332 = arith.constant 2500 : i32
      %lt3A_333 = arith.cmpi slt, %add3A_331, %lt3A_332 : i32
      %convert_element_type3A_334 = arith.extui %lt3A_333 : i1 to i32
      %cond3A_335 = arith.constant 0 : i32
      %cond3A_336 = arith.cmpi ne, %convert_element_type3A_334, %cond3A_335 : i32
      scf.if %cond3A_336 {
        %add3A_347 = arith.constant 4 : i32
        %add3A_348 = arith.addi %add3A_308, %add3A_347 : i32
        %mul3A_349 = arith.constant 32 : i32
        %mul3A_350 = arith.muli %add3A_348, %mul3A_349 : i32
        %add3A_351 = arith.addi %add3A, %mul3A_350 : i32
        %dma_start3A_352 = arith.constant 0 : i32
        %dma_start3A_353 = arith.constant 0 : i32
        %dma_start3A_354 = tpu.memref_slice %arg3[%add3A_351, %dma_start3A_352, %dma_start3A_353] : memref<2500x2x128xi32, #tpu.memory_space<hbm>> -> memref<1x2x128xi32, #tpu.memory_space<hbm>>
        %dma_start3A_355 = tpu.memref_squeeze %dma_start3A_354 : memref<1x2x128xi32, #tpu.memory_space<hbm>> -> memref<2x128xi32, #tpu.memory_space<hbm>>
        %dma_start3A_356 = arith.constant 0 : i32
        %dma_start3A_357 = arith.constant 0 : i32
        %dma_start3A_358 = tpu.memref_slice %arg3[%add3A_351, %dma_start3A_356, %dma_start3A_357] : memref<2500x2x128xi32, #tpu.memory_space<hbm>> -> memref<1x2x128xi32, #tpu.memory_space<hbm>>
        %dma_start3A_359 = tpu.memref_squeeze %dma_start3A_358 : memref<1x2x128xi32, #tpu.memory_space<hbm>> -> memref<2x128xi32, #tpu.memory_space<hbm>>
        tpu.enqueue_dma source(%dma_start3A_359 : memref<2x128xi32, #tpu.memory_space<hbm>>) target(%arg8 : memref<2x128xi32, #tpu.memory_space<vmem>>) target_semaphore(%arg18 : memref<!tpu.dma_semaphore, #tpu.memory_space<semaphore_mem>>)
      } else {
      }
      %add3A_337 = arith.constant 2 : i32
      %add3A_338 = arith.addi %add3A_308, %add3A_337 : i32
      %mul3A_339 = arith.constant 32 : i32
      %mul3A_340 = arith.muli %add3A_338, %mul3A_339 : i32
      %add3A_341 = arith.addi %add3A, %mul3A_340 : i32
      %lt3A_342 = arith.constant 2500 : i32
      %lt3A_343 = arith.cmpi slt, %add3A_341, %lt3A_342 : i32
      %convert_element_type3A_344 = arith.extui %lt3A_343 : i1 to i32
      %cond3A_345 = arith.constant 0 : i32
      %cond3A_346 = arith.cmpi ne, %convert_element_type3A_344, %cond3A_345 : i32
      scf.if %cond3A_346 {
        %add3A_347 = arith.constant 2 : i32
        %add3A_348 = arith.addi %add3A_308, %add3A_347 : i32
        %mul3A_349 = arith.constant 32 : i32
        %mul3A_350 = arith.muli %add3A_348, %mul3A_349 : i32
        %add3A_351 = arith.addi %add3A, %mul3A_350 : i32
        %dma_wait3A_352 = arith.constant 0 : i32
        %dma_wait3A_353 = arith.constant 0 : i32
        %dma_wait3A_354 = tpu.memref_slice %arg3[%add3A_351, %dma_wait3A_352, %dma_wait3A_353] : memref<2500x2x128xi32, #tpu.memory_space<hbm>> -> memref<1x2x128xi32, #tpu.memory_space<hbm>>
        %dma_wait3A_355 = tpu.memref_squeeze %dma_wait3A_354 : memref<1x2x128xi32, #tpu.memory_space<hbm>> -> memref<2x128xi32, #tpu.memory_space<hbm>>
        %dma_wait3A_356 = arith.constant 0 : i32
        %dma_wait3A_357 = arith.constant 0 : i32
        %dma_wait3A_358 = tpu.memref_slice %arg3[%add3A_351, %dma_wait3A_356, %dma_wait3A_357] : memref<2500x2x128xi32, #tpu.memory_space<hbm>> -> memref<1x2x128xi32, #tpu.memory_space<hbm>>
        %dma_wait3A_359 = tpu.memref_squeeze %dma_wait3A_358 : memref<1x2x128xi32, #tpu.memory_space<hbm>> -> memref<2x128xi32, #tpu.memory_space<hbm>>
        tpu.wait_dma2 semaphore(%arg16 : memref<!tpu.dma_semaphore, #tpu.memory_space<semaphore_mem>>) src(%dma_wait3A_359 : memref<2x128xi32, #tpu.memory_space<hbm>>) dst(%arg6 : memref<2x128xi32, #tpu.memory_space<vmem>>)
        %dma_start3A_360 = arith.constant 0 : i32
        %dma_start3A_361 = arith.constant 0 : i32
        %dma_start3A_362 = tpu.memref_slice %arg6[%dma_start3A_360, %dma_start3A_361] : memref<2x128xi32, #tpu.memory_space<vmem>> -> memref<1x128xi32, #tpu.memory_space<vmem>>
        %dma_start3A_363 = tpu.memref_squeeze %dma_start3A_362 : memref<1x128xi32, #tpu.memory_space<vmem>> -> memref<128xi32, #tpu.memory_space<vmem>>
        %dma_start3A_364 = arith.constant 0 : i32
        %dma_start3A_365 = arith.constant 0 : i32
        %dma_start3A_366 = tpu.memref_slice %arg2[%dma_start3A_364, %dma_start3A_365] : memref<10000x128xf32, #tpu.memory_space<hbm>> -> memref<10000x128xf32, #tpu.memory_space<hbm>>
        tpu.enqueue_indirect_dma source(%dma_start3A_366 : memref<10000x128xf32, #tpu.memory_space<hbm>>) target(%arg12 : memref<128x128xf32, #tpu.memory_space<vmem>>) offsets(%dma_start3A_363 : memref<128xi32, #tpu.memory_space<vmem>>) semaphore(%arg22 : memref<!tpu.dma_semaphore, #tpu.memory_space<semaphore_mem>>)
      } else {
      }
    }
    %scan3A_86 = arith.constant 14 : i32
    %barrier3A_87 = arith.constant 0 : index
    tpu.barrier barrier_id(%barrier3A_87)
    %mul3A_88 = arith.constant 624 : i32
    %mul3A_89 = arith.muli %arg1, %mul3A_88 : i32
    %mul3A_90 = arith.constant 10000 : i32
    %mul3A_91 = arith.muli %arg0, %mul3A_90 : i32
    %add3A_92 = arith.addi %mul3A_91, %mul3A_89 : i32
    "tpu.region"() ({
      %run_scoped3A = tpu.sem_alloc : memref<!tpu.dma_semaphore, #tpu.memory_space<semaphore_mem>>
      %dma_start3A_93 = arith.constant 0 : i32
      %dma_start3A_94 = tpu.memref_slice %arg4[%add3A_92, %dma_start3A_93] : memref<20000x128xf32, #tpu.memory_space<hbm>> -> memref<640x128xf32, #tpu.memory_space<hbm>>
      %dma_start3A_95 = arith.constant 0 : i32
      %dma_start3A_96 = tpu.memref_slice %arg14[%mul3A_89, %dma_start3A_95] : memref<10000x128xf32, #tpu.memory_space<vmem_shared>> -> memref<640x128xf32, #tpu.memory_space<vmem_shared>>
      tpu.enqueue_dma source(%dma_start3A_96 : memref<640x128xf32, #tpu.memory_space<vmem_shared>>) target(%dma_start3A_94 : memref<640x128xf32, #tpu.memory_space<hbm>>) target_semaphore(%run_scoped3A : memref<!tpu.dma_semaphore, #tpu.memory_space<semaphore_mem>>)
      %dma_wait3A_97 = arith.constant 0 : i32
      %dma_wait3A_98 = tpu.memref_slice %arg4[%add3A_92, %dma_wait3A_97] : memref<20000x128xf32, #tpu.memory_space<hbm>> -> memref<640x128xf32, #tpu.memory_space<hbm>>
      %dma_wait3A_99 = arith.constant 0 : i32
      %dma_wait3A_100 = tpu.memref_slice %arg14[%mul3A_89, %dma_wait3A_99] : memref<10000x128xf32, #tpu.memory_space<vmem_shared>> -> memref<640x128xf32, #tpu.memory_space<vmem_shared>>
      tpu.wait_dma2 semaphore(%run_scoped3A : memref<!tpu.dma_semaphore, #tpu.memory_space<semaphore_mem>>) src(%dma_wait3A_100 : memref<640x128xf32, #tpu.memory_space<vmem_shared>>) dst(%dma_wait3A_98 : memref<640x128xf32, #tpu.memory_space<hbm>>)
      tpu.yield
    }) : () -> ()
    return
  }
}

module attributes {stable_mosaic.version = 14 : i64} {
  func.func @body(%arg0: i32, %arg1: memref<1000x128xf32, #tpu.memory_space<vmem>>, %arg2: memref<1000x128xf32, #tpu.memory_space<vmem>>, %arg3: memref<128x128xf32, #tpu.memory_space<vmem>>, %arg4: memref<1x128xf32, #tpu.memory_space<vmem>>, %arg5: memref<1000x128xf32, #tpu.memory_space<vmem>>) attributes {dimension_semantics = [#tpu.dimension_semantics<arbitrary>], iteration_bounds = array<i64: 10>, scalar_prefetch = 0 : i64, scratch_operands = 0 : i64, tpu.core_type = #tpu.core_type<tc>, window_params = [{transform_indices = @transform_0, window_bounds = array<i64: 1000, 128>}, {transform_indices = @transform_1, window_bounds = array<i64: 1000, 128>}, {pipeline_mode = #tpu.pipeline_mode<synchronous>, transform_indices = @transform_2, window_bounds = array<i64: 128, 128>}, {pipeline_mode = #tpu.pipeline_mode<synchronous>, transform_indices = @transform_3, window_bounds = array<i64: 1, 128>}, {transform_indices = @transform_4, window_bounds = array<i64: 1000, 128>}]} {
    %get3A = arith.constant 0 : index
    %get3A_0 = arith.constant 0 : index
    %get3A_1 = vector.load %arg1[%get3A, %get3A_0] : memref<1000x128xf32, #tpu.memory_space<vmem>>, vector<1000x128xf32>
    %get3A_2 = arith.constant 0 : index
    %get3A_3 = arith.constant 0 : index
    %get3A_4 = vector.load %arg2[%get3A_2, %get3A_3] : memref<1000x128xf32, #tpu.memory_space<vmem>>, vector<1000x128xf32>
    %add3A = arith.addf %get3A_1, %get3A_4 : vector<1000x128xf32>
    %get3A_5 = arith.constant 0 : index
    %get3A_6 = arith.constant 0 : index
    %get3A_7 = vector.load %arg3[%get3A_5, %get3A_6] : memref<128x128xf32, #tpu.memory_space<vmem>>, vector<128x128xf32>
    %dot_general3A = arith.constant dense<0.000000e+00> : vector<1000x128xf32>
    %dot_general3A_8 = tpu.matmul %add3A, %get3A_7, %dot_general3A {dimension_numbers = #tpu.dot_dimension_numbers<[1], [1], [0], [0], [0, 0, 1, 0], [], []>, transpose_lhs_hint = false} : vector<1000x128xf32>, vector<128x128xf32>, vector<1000x128xf32> -> vector<1000x128xf32>
    %get3A_9 = arith.constant 0 : index
    %get3A_10 = arith.constant 0 : index
    %get3A_11 = vector.load %arg4[%get3A_9, %get3A_10] : memref<1x128xf32, #tpu.memory_space<vmem>>, vector<1x128xf32>
    %add3A_12 = vector.broadcast %get3A_11 : vector<1x128xf32> to vector<1000x128xf32>
    %add3A_13 = arith.addf %dot_general3A_8, %add3A_12 : vector<1000x128xf32>
    %max3A = arith.constant 0.000000e+00 : f32
    %max3A_14 = vector.broadcast %max3A : f32 to vector<1000x128xf32>
    %max3A_15 = arith.maximumf %add3A_13, %max3A_14 : vector<1000x128xf32>
    %swap3A = arith.constant 0 : index
    %swap3A_16 = arith.constant 0 : index
    %swap3A_17 = vector.load %arg5[%swap3A, %swap3A_16] : memref<1000x128xf32, #tpu.memory_space<vmem>>, vector<1000x128xf32>
    tpu.vector_store %arg5[%swap3A, %swap3A_16], %max3A_15 {strides = array<i32>} : memref<1000x128xf32, #tpu.memory_space<vmem>>, vector<1000x128xf32>,
    return
  }
  func.func @transform_0(%arg0: i32) -> (i32, i32) {
    %c0_i32 = arith.constant 0 : i32
    %c0_i32_0 = arith.constant 0 : i32
    return %arg0, %c0_i32 : i32, i32
  }
  func.func @transform_1(%arg0: i32) -> (i32, i32) {
    %add3A = arith.constant 10 : i32
    %add3A_0 = arith.addi %arg0, %add3A : i32
    %c0_i32 = arith.constant 0 : i32
    %c0_i32_1 = arith.constant 0 : i32
    return %add3A_0, %c0_i32 : i32, i32
  }
  func.func @transform_2(%arg0: i32) -> (i32, i32) {
    %c0_i32 = arith.constant 0 : i32
    %c0_i32_0 = arith.constant 0 : i32
    %c0_i32_1 = arith.constant 0 : i32
    return %c0_i32, %c0_i32_0 : i32, i32
  }
  func.func @transform_3(%arg0: i32) -> (i32, i32) {
    %c0_i32 = arith.constant 0 : i32
    %c0_i32_0 = arith.constant 0 : i32
    %c0_i32_1 = arith.constant 0 : i32
    return %c0_i32, %c0_i32_0 : i32, i32
  }
  func.func @transform_4(%arg0: i32) -> (i32, i32) {
    %c0_i32 = arith.constant 0 : i32
    %c0_i32_0 = arith.constant 0 : i32
    return %arg0, %c0_i32 : i32, i32
  }
}

</mosaic_0001>

<sc_bundles>
// kernel: kernel.4.cloned.1.call-start
scs
__scs_entry_jumppad:
0x0: {  	(pc) =	sbr.rel $0x88, $3  }
0x1: {  	(tag) =	ssettag $0x0;
	lr =	simm.s32 $0x1  }
0x2: {  	[smem:$0x3F9D] =	sst lr;
	_ =	strace $0xD0000000  }
0x3: {  	_ = 	snop  }
0x4: {  	_ = 	snop  }
0x5: {  	_ = 	snop  }
0x6: {  	_ = 	snop  }
0x7: {  	_ = 	snop  }
__scs_overlays_trampoline_lowered:
0x8: {  	[smem:$0x3FAC] =	sst s0  }
0x9: {  	[smem:$0x3FAD] =	sst s1  }
0xa: {  	[smem:$0x3FAE] =	sst s2  }
0xb: {  	[smem:$0x3FAF] =	sst s3  }
0xc: {  	[smem:$0x3FB0] =	sst s4  }
0xd: {  	[smem:$0x3FB1] =	sst s5  }
0xe: {  	[smem:$0x3FB2] =	sst s6  }
0xf: {  	[smem:$0x3FB3] =	sst s7  }
0x10: {  	[smem:$0x3FB4] =	sst s8  }
0x11: {  	[smem:$0x3FB5] =	sst s9;
	s0 =	simm.s32 @!p0 $0x0  }
0x12: {  	s1 =	sld [smem:$0x3F9B];
	s0 =	simm.s32 @p0 $0x1  }
0x13: {  	[smem:$0x3FB6] =	sst s0;
	s0 =	simm.s32 @!p1 $0x0  }
0x14: {  	s2 =	sld [smem:$0x3F9A];
	s0 =	simm.s32 @p1 $0x1  }
0x15: {  	[smem:$0x3FB7] =	sst s0;
	s0 =	simm.s32 @!p2 $0x0  }
0x16: {  	s3 =	sld [smem:$0x3FDB];
	s0 =	simm.s32 @p2 $0x1  }
0x17: {  	s4 =	simm.s32 $0x1BF5;
	[smem:$0x3FB9] =	sst s0  }
0x18: {  	s0 =	sld [smem:$0x3F9C];
	_ =	swait.ge [sflag:s4], $0x0  }
0x19: {  	s7 =	sld [smem:$0x3F9D]  }
0x1a: {  	s8 =	sadd.s32 $0xFFFFE003, lr  }
0x1b: {  	s9 =	sadd.s32 $0xFFFFFEF7, lr;
	s5 =	simm.s32 $0xFFFFFFFF;
	p2 =	slt.u32 s8, $0xFFFFF086  }
0x1c: {  	p1 =	slt.u32 s9, $0xF7A;
	s5 =	simm.s32 @!p2 $0x0  }
0x1d: {  	s5 =	simm.s32 @p1 $0x1;
	p0 =	seq.s32 s7, s2  }
0x1e: {  	s7 =	smul.u32 @!p0 $0xF7A, s2;
	p2 =	seq.s32 @!p0 s5, $0x0  }
0x1f: {  	s9 =	smul.u32 $0xF7A, s1;
	s8 =	simm.s32 @!p0 $0x1BF5;
	p2 =	por !p2, p0  }
0x20: {  	[sflag:s8] =	ssyncset.s32 @!p0 $0xFFFFF086;
	s6 =	sadd.s32 @!p0 s3, s7;
	s7 =	simm.s32 @!p0 $0x108  }
0x21: {  	s3 =	sadd.s32 s3, s9;
	s6 =	sadd.s32 @!p0 $0x88, s6;
	s7 =	simm.s32 @p2 $0x1082  }
0x22: {  	[simem:s7], [sflag:s8] =	dma.local @!p0 [hbm:s6], $0xF7A  }
0x23: {  	s9 =	sor.u32 $0xD0000000, s2;
	s6 =	simm.s32 $0x108;
	_ =	swait.ge @!p0 [sflag:s8], $0x0  }
0x24: {  	s3 =	sadd.s32 $0x88, s3;
	s6 =	simm.s32 @!p1 $0x1082;
	[sflag:s4] =	ssyncset.s32 $0xFFFFF086  }
0x25: {  	[simem:s6], [sflag:s4] =	dma.local [hbm:s3], $0xF7A  }
0x26: {  	[smem:$0x3F9D] =	sst s1;
	(tag) =	ssettag s2;
	_ =	strace s9  }
0x27: {  	s1 =	sld [smem:$0x3FAD]  }
0x28: {  	s2 =	sld [smem:$0x3FAE]  }
0x29: {  	s4 =	sld [smem:$0x3FB0]  }
0x2a: {  	p0 =	seq.s32 s5, $0x0;
	s5 =	sld [smem:$0x3FB1]  }
0x2b: {  	s6 =	sld [smem:$0x3FB2]  }
0x2c: {  	s7 =	sld [smem:$0x3FB3]  }
0x2d: {  	s3 =	simm.s32 $0x108;
	s8 =	sld [smem:$0x3FB4]  }
0x2e: {  	s3 =	simm.s32 @!p0 $0x1082;
	s9 =	sld [smem:$0x3FB5]  }
0x2f: {  	lr =	sadd.s32 s0, s3;
	s0 =	sld [smem:$0x3FAC]  }
0x30: {  	s3 =	sld [smem:$0x3FAF]  }
0x31: {  	[smem:$0x3FB8] =	sst s10  }
0x32: {  	s10 =	sld [smem:$0x3FB6];
	_ =	sdelay $0x3  }
0x33: {  	p0 =	seq.s32 s10, $0x1;
	s10 =	sld [smem:$0x3FB8];
	_ =	sdelay $0x3  }
0x34: {  	[smem:$0x3FB8] =	sst s10  }
0x35: {  	s10 =	sld [smem:$0x3FB7];
	_ =	sdelay $0x3  }
0x36: {  	p1 =	seq.s32 s10, $0x1;
	s10 =	sld [smem:$0x3FB8];
	_ =	sdelay $0x3  }
0x37: {  	[smem:$0x3FB8] =	sst s10  }
0x38: {  	s10 =	sld [smem:$0x3FB9]  }
0x39: {  	_ = 	snop;
	(pc) =	sbr.ind lr, $3  }
0x3a: {  	_ = 	snop  }
0x3b: {  	_ = 	snop  }
0x3c: {  	p2 =	seq.s32 s10, $0x1;
	s10 =	sld [smem:$0x3FB8]  }
0x3d: {  	_ =	shalt  }
0x3e: {  	_ =	shalt  }
0x3f: {  	_ =	shalt  }
0x40: {  	_ =	shalt  }
0x41: {  	_ =	shalt  }
0x42: {  	_ =	shalt  }
0x43: {  	_ =	shalt  }
0x44: {  	_ =	shalt  }
0x45: {  	_ =	shalt  }
0x46: {  	_ =	shalt  }
0x47: {  	_ =	shalt  }
0x48: {  	_ =	shalt  }
0x49: {  	_ =	shalt  }
0x4a: {  	_ =	shalt  }
0x4b: {  	_ =	shalt  }
0x4c: {  	_ =	shalt  }
0x4d: {  	_ =	shalt  }
0x4e: {  	_ =	shalt  }
0x4f: {  	_ =	shalt  }
0x50: {  	_ =	shalt  }
0x51: {  	_ =	shalt  }
0x52: {  	_ =	shalt  }
0x53: {  	_ =	shalt  }
0x54: {  	_ =	shalt  }
0x55: {  	_ =	shalt  }
0x56: {  	_ =	shalt  }
0x57: {  	_ =	shalt  }
0x58: {  	_ =	shalt  }
0x59: {  	_ =	shalt  }
0x5a: {  	_ =	shalt  }
0x5b: {  	_ =	shalt  }
0x5c: {  	_ =	shalt  }
0x5d: {  	_ =	shalt  }
0x5e: {  	_ =	shalt  }
0x5f: {  	_ =	shalt  }
0x60: {  	_ =	shalt  }
0x61: {  	_ =	shalt  }
0x62: {  	_ =	shalt  }
0x63: {  	_ =	shalt  }
0x64: {  	_ =	shalt  }
0x65: {  	_ =	shalt  }
0x66: {  	_ =	shalt  }
0x67: {  	_ =	shalt  }
0x68: {  	_ =	shalt  }
0x69: {  	_ =	shalt  }
0x6a: {  	_ =	shalt  }
0x6b: {  	_ =	shalt  }
0x6c: {  	_ =	shalt  }
0x6d: {  	_ =	shalt  }
0x6e: {  	_ =	shalt  }
0x6f: {  	_ =	shalt  }
0x70: {  	_ =	shalt  }
0x71: {  	_ =	shalt  }
0x72: {  	_ =	shalt  }
0x73: {  	_ =	shalt  }
0x74: {  	_ =	shalt  }
0x75: {  	_ =	shalt  }
0x76: {  	_ =	shalt  }
0x77: {  	_ =	shalt  }
0x78: {  	_ =	shalt  }
0x79: {  	_ =	shalt  }
0x7a: {  	_ =	shalt  }
0x7b: {  	_ =	shalt  }
0x7c: {  	_ =	shalt  }
0x7d: {  	_ =	shalt  }
0x7e: {  	_ =	shalt  }
0x7f: {  	_ =	shalt  }
0x80: {  	_ =	shalt  }
0x81: {  	_ =	shalt  }
0x82: {  	_ =	shalt  }
0x83: {  	_ =	shalt  }
0x84: {  	_ =	shalt  }
0x85: {  	_ =	shalt  }
0x86: {  	_ =	shalt  }
0x87: {  	_ =	shalt  }
.Lfunc_end0:
.L_simem_size_0:
called_computation_lowered:
.L_overlay_start_0:
0x88: {  	s2 =	sld [smem:$0x3FD9]  }
0x89: {  	s3 =	sld [smem:$0x3FFE];
	_ =	sdelay $0x1  }
0x8a: {  	s1 =	srdreg.scid  }
0x8b: {  	s0 =	sand.u32 $0x1, s1  }
0x8c: {  	s17 =	sshll.u32 s0, $0xA;
	s2 =	sadd.s32 s3, s2  }
0x8d: {  	s2 =	sadd.s32 s2, s17  }
0x8e: {  	[smem:$0x3FC4] =	sst s2  }
0x8f: {  	_ = 	snop  }
0x90: {  	s2 =	sld [smem:$0x3FC9]  }
0x91: {  	s18 =	sld [smem:$0x3FC8];
	(tm) =	ssettm $0x1  }
0x92: {  	s4 =	sld [smem:$0x3FFB];
	_ =	sdelay $0x3  }
0x93: {  	_ =	strace s4  }
0x94: {  	s4 =	sld [smem:$0x3FFC];
	_ =	sdelay $0x3  }
0x95: {  	_ =	strace s4  }
0x96: {  	s4 =	sld [smem:$0x3FFD];
	_ =	sdelay $0x3  }
0x97: {  	_ =	strace s4  }
0x98: {  	_ =	strace $0x8FFFFFFF  }
0x99: {  	s19 =	sld [smem:$0x3FDB];
	_ =	sdelay $0x1  }
0x9a: {  	s5 =	simm.s32 $_scs_section_size  }
0x9b: {  	s6 =	simm.s32 $_size__tile_overlayer_lowered;
	s7 =	simm.s32 $_tile_overlayer_lowered  }
0x9c: {  	s22 =	simm.s32 $0x1BFF;
	s21 =	sshll.u32 s7, $0x1;
	s4 =	sadd.s32 s5, s19  }
0x9d: {  	s8 =	simm.s32 $0x0;
	s20 =	sshll.u32 s6, $0x1;
	s6 =	sadd.s32 s21, s4  }
0x9e: {  	[timem:s8], [sflag:s22] =	dma.local [hbm:s6], s20  }
0x9f: {  	_ =	swait.ge [sflag:s22], s20  }
0xa0: {  	s5 =	ssub.s32 $0x0, s20;
	[sflag:s22] =	ssyncset.done $0x0  }
0xa1: {  	[sflag:s22] =	ssyncadd.s32 s5;
	_ =	sdelay $0x1  }
0xa2: {  	s23 =	simm.s32 $0x1B8B  }
0xa3: {  	_ =	swait.ge [sflag:s23], $0x1  }
0xa4: {  	[sflag:s23] =	ssyncset.done $0x0  }
0xa5: {  	s25 =	simm.s32 $0x1B8E;
	s24 =	sld [smem:$0x3FFE];
	[sflag:s23] =	ssyncadd.s32 $0xFFFFFFFF  }
0xa6: {  	s26 =	simm.s32 $execute0_lowered;
	[smem:$0x3FD2] =	sst s25  }
0xa7: {  	s6 =	sshll.u32 s26, $0x1;
	_ =	strace $0x80000046;
	[dreg:$0x1] =	wrdreg $0xFFFFFFFF  }
0xa8: {  	s28 =	simm.s32 $_size_execute0_lowered;
	s4 =	sadd.s32 s4, s6;
	[dreg:$0x0] =	wrdreg $0x0  }
0xa9: {  	s6 =	sshll.u32 s28, $0x1;
	[dreg:$0x2] =	wrdreg s4  }
0xaa: {  	[dreg:$0x3] =	wrdreg s6  }
0xab: {  	[dreg:$0x4] =	wrdreg $0xC0  }
0xac: {  	_ =	task [dreg:s8], $0x5FFFF  }
0xad: {  	[dreg:$0x1] =	wrdreg $0xFFFFFFFF  }
0xae: {  	[dreg:$0x0] =	wrdreg $0x60  }
0xaf: {  	[dreg:$0x2] =	wrdreg s2  }
0xb0: {  	[dreg:$0x3] =	wrdreg s18  }
0xb1: {  	[dreg:$0x4] =	wrdreg s24  }
0xb2: {  	[dreg:$0x5] =	wrdreg $0xC6000  }
0xb3: {  	[dreg:$0x6] =	wrdreg $0x9  }
0xb4: {  	_ =	task.clear_ibuf [dreg:s8], $0x7FFFF;
	_ =	strace $0x90000046  }
0xb5: {  	s29 =	simm.s32 $0x9;
	_ =	strace $0x80000048  }
0xb6: {  	_ =	swait.ge [sflag:s29], $0x1  }
0xb7: {  	[sflag:s29] =	ssyncadd.s32 $0xFFFFFFFF  }
0xb8: {  	_ =	strace $0x90000048  }
0xb9: {  	_ =	sfence  }
0xba: {  	s30 =	sld [smem:$0x0];
	_ =	sdelay $0x2  }
0xbb: {  	s31 =	sshll.u32 s1, $0xD;
	s1 =	sshrl.u32 s1, $0x2  }
0xbc: {  	s3 =	sand.u32 $0x4000, s31;
	s1 =	sadd.s32 s1, s30  }
0xbd: {  	s0 =	sor.u32 s3, s0;
	s1 =	sshll.u32 s1, $0x11  }
0xbe: {  	s0 =	sor.u32 s1, s0  }
0xbf: {  	s0 =	sadd.s32 $0x8F2B, s0  }
0xc0: {  	[sflag:s0] =	ssyncadd.remote.s32 $0x1  }
0xc1: {  	_ =	sfence.sel $0xFFFF  }
0xc2: {  	[dreg:$0x0] =	wrdreg $0xFFFFFFFF;
	(pc) =	sbr.abs _section_cstart, $3  }
0xc3: {  	[dreg:$0x1] =	wrdreg $0xFFFFFFFF  }
0xc4: {  	_ =	task.clear_ibuf [dreg:s8], $0x2FFFF;
	_ =	strace $0x9FFFFFFF  }
0xc5: {  	(tm) =	ssettm $0x7FFFFFFF  }
tec
execute0_lowered:
.L_overlay_start_1:
0x0: {  	(tag) =	ssettag $0x1  }
0x1: {  	s1 =	rddreg [dreg:$0x0]  }
0x2: {  	s0 =	rddreg [dreg:$0x1]  }
0x3: {  	s3 =	rddreg [dreg:$0x2]  }
0x4: {  	s2 =	rddreg [dreg:$0x3];
	s11 =	stileid.u32  }
0x5: {  	s4 =	srdreg.scid;
	s28 =	simm.s32 $0xD;
	s8 =	smul.u32 $0x2700, s11  }
0x6: {  	s29 =	simm.s32 $0x0;
	s7 =	sand.u32 $0x1, s4;
	s19 =	smul.u32 $0x4E000, s11  }
0x7: {  	s4 =	simm.s32 $0x0;
	s30 =	sshll.u32 s11, $0x5;
	s6 =	smul.u32 $0x27100, s7  }
0x8: {  	[smem:$0x7FF] =	sst s4;
	s5 =	sshll.u32 s7, $0x4;
	s9 =	ssub.s32 $0x2, s7  }
0x9: {  	s25 =	sshll.u32 s7, $0x9;
	_ =	strace $0x80000047;
	s5 =	sor.u32 s11, s5  }
0xa: {  	s15 =	sshrl.u32 s9, $0x1;
	s6 =	sadd.s32 s8, s6;
	s18 =	ssub.s32 $0x9C4, s5  }
0xb: {  	s10 =	sshll.u32 s5, $0x5;
	s20 =	ssub.s32 $0x984, s5;
	[dreg:$0x5] =	wrdreg s18  }
0xc: {  	s8 =	ssub.s32 s9, s15;
	s21 =	ssub.s32 $0x964, s5;
	[dreg:$0x6] =	wrdreg s20  }
0xd: {  	s22 =	ssub.s32 $0x9A4, s5;
	s3 =	sadd.s32 s6, s3;
	[dreg:$0x8] =	wrdreg s21  }
0xe: {  	s6 =	sadd.s32 s0, s10;
	[dreg:$0x7] =	wrdreg s22;
	s23 =	smax.u32 s8, $0x1  }
0xf: {  	s10 =	sshrl.u32 s19, $0x2;
	s16 =	sadd.s32 $0x400, s6;
	[dreg:$0xd] =	wrdreg s23  }
0x10: {  	s0 =	sadd.s32 s25, s0;
	s17 =	sadd.s32 $0x800, s6;
	[dreg:$0x9] =	wrdreg s16  }
0x11: {  	s21 =	simm.s32 $0x1;
	s12 =	sadd.s32 $0xC00, s6;
	[dreg:$0xa] =	wrdreg s17  }
0x12: {  	s10 =	sadd.s32 s10, s2;
	s3 =	sadd.s32 $0xA00, s3;
	[dreg:$0xb] =	wrdreg s12  }
0x13: {  	s0 =	sadd.s32 s30, s0;
	[dreg:$0xc] =	wrdreg s3;
	s24 =	sadd.s32 $0x4000, s10  }
0x14: {  	s26 =	sadd.s32 $0x8000, s10;
	s31 =	sadd.s32 $0xC000, s10;
	[dreg:$0xe] =	wrdreg s24  }
0x15: {  	s16 =	sadd.s32 $0x10000, s10;
	s17 =	sadd.s32 $0x2400, s0;
	[dreg:$0xf] =	wrdreg s26  }
0x16: {  	v0 =	vimm.f32 $0.0e+00;
	[dreg:$0x10] =	wrdreg s31;
	s24 =	simm.s32 $0x2;
	s26 =	simm.s32 $0x8600  }
.LBB2_1:
0x17: {  	[tilespmem:s4], [sflag:$0x1] =	stream.linear.gather [hbm4b:s6+s4], $0x100, $0x38;
	[tilespmem:$0x1FE80] =	vst v63  }
0x18: {  	s0 =	rddreg [dreg:$0x9];
	s3 =	simm.s32 $0x100  }
0x19: {  	[tilespmem:s3], [sflag:$0x2] =	stream.linear.gather [hbm4b:s0+s4], $0x100, $0x38;
	[tilespmem:$0x1FE80] =	vst v63  }
0x1a: {  	s20 =	rddreg [dreg:$0xa];
	s7 =	simm.s32 $0x200  }
0x1b: {  	[tilespmem:s7], [sflag:$0x3] =	stream.linear.gather [hbm4b:s20+s4], $0x100, $0x38;
	[tilespmem:$0x1FE80] =	vst v63  }
0x1c: {  	s22 =	rddreg [dreg:$0xb];
	s23 =	simm.s32 $0x300  }
0x1d: {  	[tilespmem:s23], [sflag:$0x4] =	stream.linear.gather [hbm4b:s22+s4], $0x100, $0x38;
	[tilespmem:$0x1FE80] =	vst v63  }
0x1e: {  	_ =	swait.ge [sflag:s21], $0x100  }
0x1f: {  	[sflag:s21] =	ssyncset.done $0x0  }
0x20: {  	s25 =	simm.s32 $0x80;
	s30 =	simm.s32 $0x600;
	[sflag:s21] =	ssyncadd.s32 $0xFFFFFF00  }
0x21: {  	[tilespmem:s30], [sflag:$0x7] =	stream.indirect.gather [hbm4b:s1+s25], $0x80, s4, s25, $0xb8;
	[tilespmem:$0x1FE80] =	vst v63  }
0x22: {  	_ =	swait.ge [sflag:s24], $0x100  }
0x23: {  	[sflag:s24] =	ssyncset.done $0x0  }
0x24: {  	s31 =	simm.s32 $0x4600;
	[sflag:s24] =	ssyncadd.s32 $0xFFFFFF00  }
0x25: {  	[tilespmem:s31], [sflag:$0x8] =	stream.indirect.gather [hbm4b:s1+s25], $0x80, s3, s25, $0xb8;
	[tilespmem:$0x1FE80] =	vst v63  }
0x26: {  	s0 =	simm.s32 $0x0;
	s3 =	simm.s32 $0x200  }
.LBB2_2:
0x27: {  	p0 =	seq.s32 s3, $0xFE00;
	[tilespmem:s0+$0x8670] =	vst v0  }
0x28: {  	[tilespmem:s0+$0x8600] =	vst v0  }
0x29: {  	[tilespmem:s0+$0x8610] =	vst v0  }
.Ltmp0:
0x2a: {  	[tilespmem:s0+$0x8620] =	vst v0;
	(pc) =	sbr.rel @!p0 .LBB2_2-.Ltmp0, $4  }
0x2b: {  	[tilespmem:s0+$0x8630] =	vst v0  }
0x2c: {  	[tilespmem:s0+$0x8640] =	vst v0  }
0x2d: {  	[tilespmem:s0+$0x8650] =	vst v0  }
0x2e: {  	[tilespmem:s0+$0x8660] =	vst v0;
	s0 =	sshra.s32 s3, $0x2;
	s3 =	sadd.s32 $0x200, s3  }
0x2f: {  	[tilespmem:s0+$0x8670] =	vst v0  }
0x30: {  	[tilespmem:s0+$0x8600] =	vst v0  }
0x31: {  	[tilespmem:s0+$0x8610] =	vst v0  }
0x32: {  	[tilespmem:s0+$0x8620] =	vst v0  }
0x33: {  	[tilespmem:s0+$0x8630] =	vst v0  }
0x34: {  	[tilespmem:s0+$0x8640] =	vst v0  }
0x35: {  	[tilespmem:s0+$0x8650] =	vst v0  }
0x36: {  	[tilespmem:s0+$0x8660] =	vst v0  }
0x37: {  	[spmem:s10] =	stream.linear.scatter [tilespmem:s26], [sflag:$0xD], $0x4000, $0x38;
	[tilespmem:$0x1FE80] =	vst v63  }
0x38: {  	_ =	swait.ge [sflag:s28], $0x4000  }
0x39: {  	[sflag:s28] =	ssyncset.done $0x0  }
0x3a: {  	s19 =	rddreg [dreg:$0xe];
	[sflag:s28] =	ssyncadd.s32 $0xFFFFC000  }
0x3b: {  	[spmem:s19] =	stream.linear.scatter [tilespmem:s26], [sflag:$0xD], $0x4000, $0x38;
	[tilespmem:$0x1FE80] =	vst v63  }
0x3c: {  	_ =	swait.ge [sflag:s28], $0x4000  }
0x3d: {  	[sflag:s28] =	ssyncset.done $0x0  }
0x3e: {  	s20 =	rddreg [dreg:$0xf];
	[sflag:s28] =	ssyncadd.s32 $0xFFFFC000  }
0x3f: {  	[spmem:s20] =	stream.linear.scatter [tilespmem:s26], [sflag:$0xD], $0x4000, $0x38;
	[tilespmem:$0x1FE80] =	vst v63  }
0x40: {  	_ =	swait.ge [sflag:s28], $0x4000  }
0x41: {  	[sflag:s28] =	ssyncset.done $0x0  }
0x42: {  	s22 =	rddreg [dreg:$0x10];
	[sflag:s28] =	ssyncadd.s32 $0xFFFFC000  }
0x43: {  	[spmem:s22] =	stream.linear.scatter [tilespmem:s26], [sflag:$0xD], $0x4000, $0x38;
	[tilespmem:$0x1FE80] =	vst v63  }
0x44: {  	_ =	swait.ge [sflag:s28], $0x4000  }
0x45: {  	[sflag:s28] =	ssyncset.done $0x0  }
0x46: {  	[sflag:s28] =	ssyncadd.s32 $0xFFFFC000  }
0x47: {  	[spmem:s16] =	stream.linear.scatter [tilespmem:s26], [sflag:$0xD], $0x4000, $0x38;
	[tilespmem:$0x1FE80] =	vst v63  }
0x48: {  	_ =	swait.ge [sflag:s28], $0x4000  }
0x49: {  	[sflag:s28] =	ssyncset.done $0x0  }
0x4a: {  	[sflag:s28] =	ssyncadd.s32 $0xFFFFC000  }
0x4b: {  	[bflag:$0x0] =	sbarrier.arrive $0xFFFF  }
0x4c: {  	s23 =	rddreg [dreg:$0x5]  }
0x4d: {  	p2 =	sle.u32 s23, $0x0  }
0x4e: {  	s0 =	sadd.s32 $0x0, s5;
	s3 =	simm.s32 @!p2 $0x7  }
0x4f: {  	p1 =	por $0x1, $0x1;
	s11 =	sadd.s32 $0x80, s0;
	_ =	swait.ge @!p2 [sflag:s3], $0x4000  }
0x50: {  	s9 =	simm.s32 @!p1 $0xC;
	p0 =	sgt.u32 s11, $0x9C3;
	[sflag:s3] =	ssyncset.done @!p2 $0x0  }
0x51: {  	s7 =	simm.s32 @!p2 $0x600;
	s8 =	simm.s32 @!p2 $0x80;
	[sflag:s3] =	ssyncadd.s32 @!p2 $0xFFFFC000  }
0x52: {  	[spmem:s2] =	stream.indirect.scatter.add.f32 @!p2 [tilespmem:s7], [sflag:$0xA], $0x80, s8, s8, $0xb8;
	[tilespmem:$0x1FE80] =	vst v63  }
0x53: {  	s11 =	simm.s32 @!p0 $0x0;
	_ =	swait.ge @!p1 [sflag:s9], $0x4000  }
0x54: {  	s3 =	simm.s32 @!p0 $0x400;
	[sflag:s9] =	ssyncset.done @!p1 $0x0;
	s25 =	rddreg [dreg:$0x6]  }
0x55: {  	s7 =	sadd.s32 @!p0 $0xFFFFEC00, s17;
	[sflag:s9] =	ssyncadd.s32 @!p1 $0xFFFFC000;
	p3 =	sle.u32 s25, $0x0  }
0x56: {  	[tilespmem:s3], [sflag:$0x5] =	stream.linear.gather @!p0 [hbm4b:s7+s11], $0x100, $0x38;
	[tilespmem:$0x1FE80] =	vst v63  }
0x57: {  	s7 =	simm.s32 @!p3 $0x3  }
0x58: {  	_ =	swait.ge @!p3 [sflag:s7], $0x100  }
0x59: {  	s13 =	sadd.s32 $0xA0, s0;
	s9 =	simm.s32 @!p3 $0x8600;
	s12 =	rddreg [dreg:$0x7]  }
0x5a: {  	s11 =	simm.s32 @!p3 $0x80;
	[sflag:s7] =	ssyncset.done @!p3 $0x0;
	p6 =	sle.u32 s12, $0x0  }
0x5b: {  	s8 =	simm.s32 @!p3 $0x200;
	[sflag:s7] =	ssyncadd.s32 @!p3 $0xFFFFFF00;
	s7 =	simm.s32 @!p6 $0x8  }
0x5c: {  	[tilespmem:s9], [sflag:$0x9] =	stream.indirect.gather @!p3 [hbm4b:s1+s11], $0x80, s8, s11, $0xb8;
	[tilespmem:$0x1FE80] =	vst v63  }
0x5d: {  	p1 =	sgt.u32 s13, $0x9C3;
	_ =	swait.ge @!p6 [sflag:s7], $0x4000  }
0x5e: {  	s18 =	simm.s32 @!p6 $0x4600;
	s19 =	simm.s32 @!p6 $0x80;
	[sflag:s7] =	ssyncset.done @!p6 $0x0  }
0x5f: {  	s20 =	simm.s32 @!p6 $0x180;
	[sflag:s7] =	ssyncadd.s32 @!p6 $0xFFFFC000;
	s7 =	simm.s32 @!p2 $0xA  }
0x60: {  	[spmem:s2] =	stream.indirect.scatter.add.f32 @!p6 [tilespmem:s18], [sflag:$0xB], $0x80, s20, s19, $0xb8;
	[tilespmem:$0x1FE80] =	vst v63  }
0x61: {  	s8 =	sadd.s32 @!p1 $0xFFFFF000, s17;
	_ =	swait.ge @!p2 [sflag:s7], $0x4000  }
0x62: {  	s19 =	simm.s32 @!p1 $0x0;
	[sflag:s7] =	ssyncset.done @!p2 $0x0;
	s14 =	rddreg [dreg:$0x8]  }
0x63: {  	s20 =	simm.s32 @!p1 $0x500;
	[sflag:s7] =	ssyncadd.s32 @!p2 $0xFFFFC000;
	p4 =	sle.u32 s14, $0x0  }
0x64: {  	[tilespmem:s20], [sflag:$0x6] =	stream.linear.gather @!p1 [hbm4b:s8+s19], $0x100, $0x38;
	[tilespmem:$0x1FE80] =	vst v63  }
0x65: {  	s7 =	simm.s32 @!p4 $0x4  }
0x66: {  	_ =	swait.ge @!p4 [sflag:s7], $0x100  }
0x67: {  	s8 =	simm.s32 @!p4 $0x600;
	s18 =	simm.s32 @!p4 $0x80;
	[sflag:s7] =	ssyncset.done @!p4 $0x0  }
0x68: {  	s19 =	simm.s32 @!p4 $0x300;
	[sflag:s7] =	ssyncadd.s32 @!p4 $0xFFFFFF00;
	s7 =	simm.s32 @!p3 $0x9  }
0x69: {  	[tilespmem:s8], [sflag:$0x7] =	stream.indirect.gather @!p4 [hbm4b:s1+s18], $0x80, s19, s18, $0xb8;
	[tilespmem:$0x1FE80] =	vst v63  }
0x6a: {  	_ =	swait.ge @!p3 [sflag:s7], $0x4000  }
0x6b: {  	s15 =	sadd.s32 $0xC0, s0;
	[sflag:s7] =	ssyncset.done @!p3 $0x0  }
0x6c: {  	s23 =	simm.s32 @!p3 $0x280;
	[sflag:s7] =	ssyncadd.s32 @!p3 $0xFFFFC000;
	s7 =	simm.s32 @!p6 $0xB  }
0x6d: {  	[spmem:s2] =	stream.indirect.scatter.add.f32 @!p3 [tilespmem:s9], [sflag:$0xC], $0x80, s23, s11, $0xb8;
	[tilespmem:$0x1FE80] =	vst v63  }
0x6e: {  	p5 =	sgt.u32 s15, $0x9C3;
	_ =	swait.ge @!p6 [sflag:s7], $0x4000  }
0x6f: {  	s9 =	sadd.s32 @!p5 $0xFFFFF400, s17;
	[sflag:s7] =	ssyncset.done @!p6 $0x0  }
0x70: {  	s11 =	simm.s32 @!p5 $0x0;
	[sflag:s7] =	ssyncadd.s32 @!p6 $0xFFFFC000;
	s7 =	simm.s32 @!p0 $0x5  }
0x71: {  	[tilespmem:s11], [sflag:$0x1] =	stream.linear.gather @!p5 [hbm4b:s9+s11], $0x100, $0x38;
	[tilespmem:$0x1FE80] =	vst v63  }
0x72: {  	_ =	swait.ge @!p0 [sflag:s7], $0x100  }
0x73: {  	s19 =	simm.s32 @!p0 $0x4600;
	[sflag:s7] =	ssyncset.done @!p0 $0x0  }
0x74: {  	s9 =	simm.s32 @!p0 $0x80;
	[sflag:s7] =	ssyncadd.s32 @!p0 $0xFFFFFF00;
	s7 =	simm.s32 @!p4 $0x7  }
0x75: {  	[tilespmem:s19], [sflag:$0x8] =	stream.indirect.gather @!p0 [hbm4b:s1+s9], $0x80, s3, s9, $0xb8;
	[tilespmem:$0x1FE80] =	vst v63  }
0x76: {  	_ =	swait.ge @!p4 [sflag:s7], $0x4000  }
0x77: {  	s22 =	sadd.s32 $0xE0, s0;
	[sflag:s7] =	ssyncset.done @!p4 $0x0  }
0x78: {  	s23 =	simm.s32 @!p4 $0x380;
	[sflag:s7] =	ssyncadd.s32 @!p4 $0xFFFFC000;
	s7 =	simm.s32 @!p3 $0xC  }
0x79: {  	[spmem:s2] =	stream.indirect.scatter.add.f32 @!p4 [tilespmem:s8], [sflag:$0xA], $0x80, s23, s18, $0xb8;
	[tilespmem:$0x1FE80] =	vst v63  }
0x7a: {  	p2 =	sgt.u32 s22, $0x9C3;
	_ =	swait.ge @!p3 [sflag:s7], $0x4000  }
0x7b: {  	s3 =	sadd.s32 @!p2 $0xFFFFF800, s17;
	s23 =	simm.s32 @!p2 $0x100;
	[sflag:s7] =	ssyncset.done @!p3 $0x0  }
0x7c: {  	s8 =	simm.s32 @!p1 $0x6;
	[sflag:s7] =	ssyncadd.s32 @!p3 $0xFFFFC000;
	s7 =	simm.s32 @!p2 $0x0  }
0x7d: {  	[tilespmem:s23], [sflag:$0x2] =	stream.linear.gather @!p2 [hbm4b:s3+s7], $0x100, $0x38;
	[tilespmem:$0x1FE80] =	vst v63  }
0x7e: {  	_ =	swait.ge @!p1 [sflag:s8], $0x100  }
0x7f: {  	s3 =	simm.s32 @!p1 $0x80;
	[sflag:s8] =	ssyncset.done @!p1 $0x0  }
0x80: {  	s7 =	simm.s32 @!p1 $0x8600;
	[sflag:s8] =	ssyncadd.s32 @!p1 $0xFFFFFF00;
	s8 =	simm.s32 @!p0 $0x8  }
0x81: {  	[tilespmem:s7], [sflag:$0x9] =	stream.indirect.gather @!p1 [hbm4b:s1+s3], $0x80, s20, s3, $0xb8;
	[tilespmem:$0x1FE80] =	vst v63  }
0x82: {  	_ =	swait.ge @!p0 [sflag:s8], $0x4000  }
0x83: {  	s25 =	sadd.s32 $0x100, s0;
	[sflag:s8] =	ssyncset.done @!p0 $0x0  }
0x84: {  	s20 =	simm.s32 @!p0 $0x480;
	[sflag:s8] =	ssyncadd.s32 @!p0 $0xFFFFC000;
	s8 =	simm.s32 @!p4 $0xA  }
0x85: {  	[spmem:s2] =	stream.indirect.scatter.add.f32 @!p0 [tilespmem:s19], [sflag:$0xB], $0x80, s20, s9, $0xb8;
	[tilespmem:$0x1FE80] =	vst v63  }
0x86: {  	p3 =	sgt.u32 s25, $0x9C3;
	_ =	swait.ge @!p4 [sflag:s8], $0x4000  }
0x87: {  	s18 =	simm.s32 @!p3 $0x200;
	s9 =	sadd.s32 @!p3 $0xFFFFFC00, s17;
	[sflag:s8] =	ssyncset.done @!p4 $0x0  }
0x88: {  	s19 =	simm.s32 @!p5 $0x1;
	[sflag:s8] =	ssyncadd.s32 @!p4 $0xFFFFC000;
	s8 =	simm.s32 @!p3 $0x0  }
0x89: {  	[tilespmem:s18], [sflag:$0x3] =	stream.linear.gather @!p3 [hbm4b:s9+s8], $0x100, $0x38;
	[tilespmem:$0x1FE80] =	vst v63  }
0x8a: {  	_ =	swait.ge @!p5 [sflag:s19], $0x100  }
0x8b: {  	s8 =	simm.s32 @!p5 $0x80;
	[sflag:s19] =	ssyncset.done @!p5 $0x0  }
0x8c: {  	s9 =	simm.s32 @!p5 $0x600;
	s18 =	simm.s32 @!p1 $0x9;
	[sflag:s19] =	ssyncadd.s32 @!p5 $0xFFFFFF00  }
0x8d: {  	[tilespmem:s9], [sflag:$0x7] =	stream.indirect.gather @!p5 [hbm4b:s1+s8], $0x80, s11, s8, $0xb8;
	[tilespmem:$0x1FE80] =	vst v63  }
0x8e: {  	_ =	swait.ge @!p1 [sflag:s18], $0x4000  }
0x8f: {  	[sflag:s18] =	ssyncset.done @!p1 $0x0  }
0x90: {  	s8 =	simm.s32 @!p1 $0x580;
	s9 =	simm.s32 @!p0 $0xB;
	[sflag:s18] =	ssyncadd.s32 @!p1 $0xFFFFC000  }
0x91: {  	[spmem:s2] =	stream.indirect.scatter.add.f32 @!p1 [tilespmem:s7], [sflag:$0xC], $0x80, s8, s3, $0xb8;
	[tilespmem:$0x1FE80] =	vst v63  }
0x92: {  	s0 =	sadd.s32 $0x120, s0;
	_ =	swait.ge @!p0 [sflag:s9], $0x4000  }
0x93: {  	s31 =	simm.s32 $0xC0;
	p1 =	sgt.u32 s0, $0x9C3;
	[sflag:s9] =	ssyncset.done @!p0 $0x0  }
0x94: {  	s0 =	simm.s32 @!p1 $0x0;
	s3 =	simm.s32 @!p1 $0x300;
	[sflag:s9] =	ssyncadd.s32 @!p0 $0xFFFFC000  }
0x95: {  	[tilespmem:s3], [sflag:$0x4] =	stream.linear.gather @!p1 [hbm4b:s17+s0], $0x100, $0x38;
	[tilespmem:$0x1FE80] =	vst v63  }
0x96: {  	s30 =	sadd.s32 $0x1800, s17;
	s0 =	simm.s32 $0x180;
	s3 =	simm.s32 @!p2 $0x2  }
.LBB2_4:
0x97: {  	_ =	swait.ge @!p2 [sflag:s3], $0x100  }
0x98: {  	s8 =	simm.s32 @!p2 $0x4600;
	s7 =	smov.u32 s0;
	s0 =	sadd.s32 $0xC0, s0  }
0x99: {  	s11 =	simm.s32 @!p2 $0x80;
	[sflag:s3] =	ssyncset.done @!p2 $0x0;
	p0 =	sne.s32 s0, $0xA80  }
0x9a: {  	s9 =	rddreg [dreg:$0x5];
	s12 =	simm.s32 @!p0 $0x0;
	[sflag:s3] =	ssyncadd.s32 @!p2 $0xFFFFFF00  }
0x9b: {  	[tilespmem:s8], [sflag:$0x8] =	stream.indirect.gather @!p2 [hbm4b:s1+s11], $0x80, s23, s11, $0xb8;
	[tilespmem:$0x1FE80] =	vst v63  }
0x9c: {  	s14 =	sadd.s32 s31, s5;
	s12 =	simm.s32 @p0 $0x1;
	p2 =	sge.u32 s31, s9  }
0x9d: {  	s15 =	sadd.s32 $0x80, s14;
	[smem:$0x7FD] =	sst s12;
	s3 =	simm.s32 @!p2 $0x7  }
0x9e: {  	p1 =	sgt.u32 s15, $0x9C3;
	_ =	swait.ge @!p2 [sflag:s3], $0x4000  }
0x9f: {  	p0 =	seq.s32 s31, $0x0;
	s11 =	simm.s32 @!p2 $0x600;
	[sflag:s3] =	ssyncset.done @!p2 $0x0  }
0xa0: {  	s18 =	simm.s32 @!p2 $0x80;
	s20 =	simm.s32 @!p0 $0xC;
	[sflag:s3] =	ssyncadd.s32 @!p2 $0xFFFFC000  }
0xa1: {  	[spmem:s2] =	stream.indirect.scatter.add.f32 @!p2 [tilespmem:s11], [sflag:$0xA], $0x80, s18, s18, $0xb8;
	[tilespmem:$0x1FE80] =	vst v63  }
0xa2: {  	s3 =	simm.s32 @!p1 $0x400;
	_ =	swait.ge @!p0 [sflag:s20], $0x4000  }
0xa3: {  	s11 =	sadd.s32 @!p1 $0xFFFFEC00, s30;
	[sflag:s20] =	ssyncset.done @!p0 $0x0;
	s13 =	rddreg [dreg:$0x6]  }
0xa4: {  	s18 =	simm.s32 @!p1 $0x0;
	[sflag:s20] =	ssyncadd.s32 @!p0 $0xFFFFC000;
	p4 =	sge.u32 s31, s13  }
0xa5: {  	[tilespmem:s3], [sflag:$0x5] =	stream.linear.gather @!p1 [hbm4b:s11+s18], $0x100, $0x38;
	[tilespmem:$0x1FE80] =	vst v63  }
0xa6: {  	s25 =	sadd.s32 $0x100, s14;
	s8 =	sadd.s32 $0xC0, s14;
	s9 =	simm.s32 @!p4 $0x3  }
0xa7: {  	s23 =	sadd.s32 $0xE0, s14;
	s12 =	sadd.s32 $0xA0, s14;
	_ =	swait.ge @!p4 [sflag:s9], $0x100  }
0xa8: {  	s20 =	sadd.s32 $0x120, s14;
	s11 =	simm.s32 @!p4 $0x8600;
	s14 =	rddreg [dreg:$0x7]  }
0xa9: {  	s18 =	simm.s32 @!p4 $0x80;
	[sflag:s9] =	ssyncset.done @!p4 $0x0;
	p0 =	sge.u32 s31, s14  }
0xaa: {  	s13 =	simm.s32 @!p4 $0x200;
	[sflag:s9] =	ssyncadd.s32 @!p4 $0xFFFFFF00;
	s9 =	simm.s32 @!p0 $0x8  }
0xab: {  	[tilespmem:s11], [sflag:$0x9] =	stream.indirect.gather @!p4 [hbm4b:s1+s18], $0x80, s13, s18, $0xb8;
	[tilespmem:$0x1FE80] =	vst v63  }
0xac: {  	s15 =	simm.s32 @!p2 $0xA;
	_ =	swait.ge @!p0 [sflag:s9], $0x4000  }
0xad: {  	p3 =	sgt.u32 s12, $0x9C3;
	s13 =	simm.s32 @!p0 $0x4600;
	[sflag:s9] =	ssyncset.done @!p0 $0x0  }
0xae: {  	s14 =	simm.s32 @!p0 $0x80;
	s22 =	simm.s32 @!p0 $0x180;
	[sflag:s9] =	ssyncadd.s32 @!p0 $0xFFFFC000  }
0xaf: {  	[spmem:s2] =	stream.indirect.scatter.add.f32 @!p0 [tilespmem:s13], [sflag:$0xB], $0x80, s22, s14, $0xb8;
	[tilespmem:$0x1FE80] =	vst v63  }
0xb0: {  	s12 =	sadd.s32 @!p3 $0xFFFFF000, s30;
	_ =	swait.ge @!p2 [sflag:s15], $0x4000  }
0xb1: {  	s9 =	simm.s32 @!p3 $0x500;
	[sflag:s15] =	ssyncset.done @!p2 $0x0;
	s22 =	rddreg [dreg:$0x8]  }
0xb2: {  	s13 =	simm.s32 @!p3 $0x0;
	[sflag:s15] =	ssyncadd.s32 @!p2 $0xFFFFC000;
	p5 =	sge.u32 s31, s22  }
0xb3: {  	[tilespmem:s9], [sflag:$0x6] =	stream.linear.gather @!p3 [hbm4b:s12+s13], $0x100, $0x38;
	[tilespmem:$0x1FE80] =	vst v63  }
0xb4: {  	s31 =	smov.u32 s7;
	s7 =	simm.s32 @!p5 $0x4  }
0xb5: {  	_ =	swait.ge @!p5 [sflag:s7], $0x100  }
0xb6: {  	s12 =	simm.s32 @!p5 $0x600;
	s13 =	simm.s32 @!p5 $0x80;
	[sflag:s7] =	ssyncset.done @!p5 $0x0  }
0xb7: {  	s14 =	simm.s32 @!p5 $0x300;
	[sflag:s7] =	ssyncadd.s32 @!p5 $0xFFFFFF00;
	s7 =	simm.s32 @!p4 $0x9  }
0xb8: {  	[tilespmem:s12], [sflag:$0x7] =	stream.indirect.gather @!p5 [hbm4b:s1+s13], $0x80, s14, s13, $0xb8;
	[tilespmem:$0x1FE80] =	vst v63  }
0xb9: {  	_ =	swait.ge @!p4 [sflag:s7], $0x4000  }
0xba: {  	[sflag:s7] =	ssyncset.done @!p4 $0x0  }
0xbb: {  	s15 =	simm.s32 @!p0 $0xB;
	s14 =	simm.s32 @!p4 $0x280;
	[sflag:s7] =	ssyncadd.s32 @!p4 $0xFFFFC000  }
0xbc: {  	[spmem:s2] =	stream.indirect.scatter.add.f32 @!p4 [tilespmem:s11], [sflag:$0xC], $0x80, s14, s18, $0xb8;
	[tilespmem:$0x1FE80] =	vst v63  }
0xbd: {  	p6 =	sgt.u32 s8, $0x9C3;
	_ =	swait.ge @!p0 [sflag:s15], $0x4000  }
0xbe: {  	s8 =	sadd.s32 @!p6 $0xFFFFF400, s30;
	[sflag:s15] =	ssyncset.done @!p0 $0x0  }
0xbf: {  	s7 =	simm.s32 @!p6 $0x0;
	s11 =	simm.s32 @!p1 $0x5;
	[sflag:s15] =	ssyncadd.s32 @!p0 $0xFFFFC000  }
0xc0: {  	[tilespmem:s7], [sflag:$0x1] =	stream.linear.gather @!p6 [hbm4b:s8+s7], $0x100, $0x38;
	[tilespmem:$0x1FE80] =	vst v63  }
0xc1: {  	_ =	swait.ge @!p1 [sflag:s11], $0x100  }
0xc2: {  	s14 =	simm.s32 @!p1 $0x4600;
	[sflag:s11] =	ssyncset.done @!p1 $0x0  }
0xc3: {  	s8 =	simm.s32 @!p1 $0x80;
	[sflag:s11] =	ssyncadd.s32 @!p1 $0xFFFFFF00;
	s11 =	simm.s32 @!p5 $0x7  }
0xc4: {  	[tilespmem:s14], [sflag:$0x8] =	stream.indirect.gather @!p1 [hbm4b:s1+s8], $0x80, s3, s8, $0xb8;
	[tilespmem:$0x1FE80] =	vst v63  }
0xc5: {  	_ =	swait.ge @!p5 [sflag:s11], $0x4000  }
0xc6: {  	[sflag:s11] =	ssyncset.done @!p5 $0x0  }
0xc7: {  	s3 =	simm.s32 @!p5 $0x380;
	[sflag:s11] =	ssyncadd.s32 @!p5 $0xFFFFC000;
	s11 =	simm.s32 @!p4 $0xC  }
0xc8: {  	[spmem:s2] =	stream.indirect.scatter.add.f32 @!p5 [tilespmem:s12], [sflag:$0xA], $0x80, s3, s13, $0xb8;
	[tilespmem:$0x1FE80] =	vst v63  }
0xc9: {  	p2 =	sgt.u32 s23, $0x9C3;
	_ =	swait.ge @!p4 [sflag:s11], $0x4000  }
0xca: {  	s23 =	simm.s32 @!p2 $0x100;
	s3 =	sadd.s32 @!p2 $0xFFFFF800, s30;
	[sflag:s11] =	ssyncset.done @!p4 $0x0  }
0xcb: {  	s12 =	simm.s32 @!p3 $0x6;
	[sflag:s11] =	ssyncadd.s32 @!p4 $0xFFFFC000;
	s11 =	simm.s32 @!p2 $0x0  }
0xcc: {  	[tilespmem:s23], [sflag:$0x2] =	stream.linear.gather @!p2 [hbm4b:s3+s11], $0x100, $0x38;
	[tilespmem:$0x1FE80] =	vst v63  }
0xcd: {  	_ =	swait.ge @!p3 [sflag:s12], $0x100  }
0xce: {  	s3 =	simm.s32 @!p3 $0x80;
	[sflag:s12] =	ssyncset.done @!p3 $0x0  }
0xcf: {  	s11 =	simm.s32 @!p3 $0x8600;
	[sflag:s12] =	ssyncadd.s32 @!p3 $0xFFFFFF00;
	s12 =	simm.s32 @!p1 $0x8  }
0xd0: {  	[tilespmem:s11], [sflag:$0x9] =	stream.indirect.gather @!p3 [hbm4b:s1+s3], $0x80, s9, s3, $0xb8;
	[tilespmem:$0x1FE80] =	vst v63  }
0xd1: {  	_ =	swait.ge @!p1 [sflag:s12], $0x4000  }
0xd2: {  	[sflag:s12] =	ssyncset.done @!p1 $0x0  }
0xd3: {  	s9 =	simm.s32 @!p1 $0x480;
	[sflag:s12] =	ssyncadd.s32 @!p1 $0xFFFFC000;
	s12 =	simm.s32 @!p5 $0xA  }
0xd4: {  	[spmem:s2] =	stream.indirect.scatter.add.f32 @!p1 [tilespmem:s14], [sflag:$0xB], $0x80, s9, s8, $0xb8;
	[tilespmem:$0x1FE80] =	vst v63  }
0xd5: {  	p0 =	sgt.u32 s25, $0x9C3;
	_ =	swait.ge @!p5 [sflag:s12], $0x4000  }
0xd6: {  	s13 =	simm.s32 @!p6 $0x1;
	s8 =	sadd.s32 @!p0 $0xFFFFFC00, s30;
	[sflag:s12] =	ssyncset.done @!p5 $0x0  }
0xd7: {  	s9 =	simm.s32 @!p0 $0x200;
	[sflag:s12] =	ssyncadd.s32 @!p5 $0xFFFFC000;
	s12 =	simm.s32 @!p0 $0x0  }
0xd8: {  	[tilespmem:s9], [sflag:$0x3] =	stream.linear.gather @!p0 [hbm4b:s8+s12], $0x100, $0x38;
	[tilespmem:$0x1FE80] =	vst v63  }
0xd9: {  	_ =	swait.ge @!p6 [sflag:s13], $0x100  }
0xda: {  	s8 =	simm.s32 @!p6 $0x80;
	[sflag:s13] =	ssyncset.done @!p6 $0x0  }
0xdb: {  	s9 =	simm.s32 @!p6 $0x600;
	s12 =	simm.s32 @!p3 $0x9;
	[sflag:s13] =	ssyncadd.s32 @!p6 $0xFFFFFF00  }
0xdc: {  	[tilespmem:s9], [sflag:$0x7] =	stream.indirect.gather @!p6 [hbm4b:s1+s8], $0x80, s7, s8, $0xb8;
	[tilespmem:$0x1FE80] =	vst v63  }
0xdd: {  	_ =	swait.ge @!p3 [sflag:s12], $0x4000  }
0xde: {  	[sflag:s12] =	ssyncset.done @!p3 $0x0  }
0xdf: {  	s7 =	simm.s32 @!p3 $0x580;
	s8 =	simm.s32 @!p1 $0xB;
	[sflag:s12] =	ssyncadd.s32 @!p3 $0xFFFFC000  }
0xe0: {  	[spmem:s2] =	stream.indirect.scatter.add.f32 @!p3 [tilespmem:s11], [sflag:$0xC], $0x80, s7, s3, $0xb8;
	[tilespmem:$0x1FE80] =	vst v63  }
0xe1: {  	s19 =	smov.u32 s30;
	_ =	swait.ge @!p1 [sflag:s8], $0x4000  }
0xe2: {  	p0 =	sgt.u32 s20, $0x9C3;
	[sflag:s8] =	ssyncset.done @!p1 $0x0;
	s25 =	sld [smem:$0x7FD]  }
0xe3: {  	s9 =	simm.s32 @!p0 $0x300;
	s7 =	simm.s32 @!p0 $0x0;
	[sflag:s8] =	ssyncadd.s32 @!p1 $0xFFFFC000  }
0xe4: {  	[tilespmem:s9], [sflag:$0x4] =	stream.linear.gather @!p0 [hbm4b:s19+s7], $0x100, $0x38;
	[tilespmem:$0x1FE80] =	vst v63  }
0xe5: {  	p0 =	seq.s32 s25, $0x1  }
.Ltmp1:
0xe6: {  	_ = 	snop;
	(pc) =	sbr.rel @p0 .LBB2_4-.Ltmp1, $2  }
0xe7: {  	_ =	sdelay $0x2  }
0xe8: {  	s30 =	sadd.s32 $0x1800, s30;
	s3 =	simm.s32 @!p2 $0x2  }
0xe9: {  	_ =	swait.ge @!p2 [sflag:s3], $0x100  }
0xea: {  	s7 =	simm.s32 @!p2 $0x4600;
	s0 =	rddreg [dreg:$0x5];
	[sflag:s3] =	ssyncset.done @!p2 $0x0  }
0xeb: {  	s8 =	simm.s32 @!p2 $0x80;
	[sflag:s3] =	ssyncadd.s32 @!p2 $0xFFFFFF00;
	p3 =	sge.u32 s31, s0  }
0xec: {  	[tilespmem:s7], [sflag:$0x8] =	stream.indirect.gather @!p2 [hbm4b:s1+s8], $0x80, s23, s8, $0xb8;
	[tilespmem:$0x1FE80] =	vst v63  }
0xed: {  	s25 =	sadd.s32 s31, s5;
	s3 =	simm.s32 @!p3 $0x7  }
0xee: {  	p1 =	seq.s32 s31, $0x0;
	s11 =	sadd.s32 $0x80, s25;
	_ =	swait.ge @!p3 [sflag:s3], $0x4000  }
0xef: {  	s9 =	simm.s32 @!p1 $0xC;
	p0 =	sgt.u32 s11, $0x9C3;
	[sflag:s3] =	ssyncset.done @!p3 $0x0  }
0xf0: {  	s7 =	simm.s32 @!p3 $0x600;
	s8 =	simm.s32 @!p3 $0x80;
	[sflag:s3] =	ssyncadd.s32 @!p3 $0xFFFFC000  }
0xf1: {  	[spmem:s2] =	stream.indirect.scatter.add.f32 @!p3 [tilespmem:s7], [sflag:$0xA], $0x80, s8, s8, $0xb8;
	[tilespmem:$0x1FE80] =	vst v63  }
0xf2: {  	s11 =	simm.s32 @!p0 $0x0;
	_ =	swait.ge @!p1 [sflag:s9], $0x4000  }
0xf3: {  	s3 =	simm.s32 @!p0 $0x400;
	[sflag:s9] =	ssyncset.done @!p1 $0x0;
	s13 =	rddreg [dreg:$0x6]  }
0xf4: {  	s7 =	sadd.s32 @!p0 $0xFFFFEC00, s30;
	[sflag:s9] =	ssyncadd.s32 @!p1 $0xFFFFC000;
	p2 =	sge.u32 s31, s13  }
0xf5: {  	[tilespmem:s3], [sflag:$0x5] =	stream.linear.gather @!p0 [hbm4b:s7+s11], $0x100, $0x38;
	[tilespmem:$0x1FE80] =	vst v63  }
0xf6: {  	s7 =	simm.s32 @!p2 $0x3  }
0xf7: {  	_ =	swait.ge @!p2 [sflag:s7], $0x100  }
0xf8: {  	s15 =	sadd.s32 $0xA0, s25;
	s9 =	simm.s32 @!p2 $0x8600;
	s14 =	rddreg [dreg:$0x7]  }
0xf9: {  	s11 =	simm.s32 @!p2 $0x80;
	[sflag:s7] =	ssyncset.done @!p2 $0x0;
	p5 =	sge.u32 s31, s14  }
0xfa: {  	s8 =	simm.s32 @!p2 $0x200;
	[sflag:s7] =	ssyncadd.s32 @!p2 $0xFFFFFF00;
	s7 =	simm.s32 @!p5 $0x8  }
0xfb: {  	[tilespmem:s9], [sflag:$0x9] =	stream.indirect.gather @!p2 [hbm4b:s1+s11], $0x80, s8, s11, $0xb8;
	[tilespmem:$0x1FE80] =	vst v63  }
0xfc: {  	p1 =	sgt.u32 s15, $0x9C3;
	_ =	swait.ge @!p5 [sflag:s7], $0x4000  }
0xfd: {  	s12 =	simm.s32 @!p5 $0x4600;
	s13 =	simm.s32 @!p5 $0x80;
	[sflag:s7] =	ssyncset.done @!p5 $0x0  }
0xfe: {  	s14 =	simm.s32 @!p5 $0x180;
	[sflag:s7] =	ssyncadd.s32 @!p5 $0xFFFFC000;
	s7 =	simm.s32 @!p3 $0xA  }
0xff: {  	[spmem:s2] =	stream.indirect.scatter.add.f32 @!p5 [tilespmem:s12], [sflag:$0xB], $0x80, s14, s13, $0xb8;
	[tilespmem:$0x1FE80] =	vst v63  }
0x100: {  	s8 =	sadd.s32 @!p1 $0xFFFFF000, s30;
	_ =	swait.ge @!p3 [sflag:s7], $0x4000  }
0x101: {  	s13 =	simm.s32 @!p1 $0x0;
	[sflag:s7] =	ssyncset.done @!p3 $0x0;
	s18 =	rddreg [dreg:$0x8]  }
0x102: {  	s14 =	simm.s32 @!p1 $0x500;
	[sflag:s7] =	ssyncadd.s32 @!p3 $0xFFFFC000;
	p3 =	sge.u32 s31, s18  }
0x103: {  	[tilespmem:s14], [sflag:$0x6] =	stream.linear.gather @!p1 [hbm4b:s8+s13], $0x100, $0x38;
	[tilespmem:$0x1FE80] =	vst v63  }
0x104: {  	s7 =	simm.s32 @!p3 $0x4  }
0x105: {  	_ =	swait.ge @!p3 [sflag:s7], $0x100  }
0x106: {  	s8 =	simm.s32 @!p3 $0x600;
	s12 =	simm.s32 @!p3 $0x80;
	[sflag:s7] =	ssyncset.done @!p3 $0x0  }
0x107: {  	s13 =	simm.s32 @!p3 $0x300;
	[sflag:s7] =	ssyncadd.s32 @!p3 $0xFFFFFF00;
	s7 =	simm.s32 @!p2 $0x9  }
0x108: {  	[tilespmem:s8], [sflag:$0x7] =	stream.indirect.gather @!p3 [hbm4b:s1+s12], $0x80, s13, s12, $0xb8;
	[tilespmem:$0x1FE80] =	vst v63  }
0x109: {  	_ =	swait.ge @!p2 [sflag:s7], $0x4000  }
0x10a: {  	s19 =	sadd.s32 $0xC0, s25;
	[sflag:s7] =	ssyncset.done @!p2 $0x0  }
0x10b: {  	s15 =	simm.s32 @!p2 $0x280;
	[sflag:s7] =	ssyncadd.s32 @!p2 $0xFFFFC000;
	s7 =	simm.s32 @!p5 $0xB  }
0x10c: {  	[spmem:s2] =	stream.indirect.scatter.add.f32 @!p2 [tilespmem:s9], [sflag:$0xC], $0x80, s15, s11, $0xb8;
	[tilespmem:$0x1FE80] =	vst v63  }
0x10d: {  	p4 =	sgt.u32 s19, $0x9C3;
	_ =	swait.ge @!p5 [sflag:s7], $0x4000  }
0x10e: {  	s9 =	sadd.s32 @!p4 $0xFFFFF400, s30;
	[sflag:s7] =	ssyncset.done @!p5 $0x0  }
0x10f: {  	s11 =	simm.s32 @!p4 $0x0;
	[sflag:s7] =	ssyncadd.s32 @!p5 $0xFFFFC000;
	s7 =	simm.s32 @!p0 $0x5  }
0x110: {  	[tilespmem:s11], [sflag:$0x1] =	stream.linear.gather @!p4 [hbm4b:s9+s11], $0x100, $0x38;
	[tilespmem:$0x1FE80] =	vst v63  }
0x111: {  	_ =	swait.ge @!p0 [sflag:s7], $0x100  }
0x112: {  	s13 =	simm.s32 @!p0 $0x4600;
	[sflag:s7] =	ssyncset.done @!p0 $0x0  }
0x113: {  	s9 =	simm.s32 @!p0 $0x80;
	[sflag:s7] =	ssyncadd.s32 @!p0 $0xFFFFFF00;
	s7 =	simm.s32 @!p3 $0x7  }
0x114: {  	[tilespmem:s13], [sflag:$0x8] =	stream.indirect.gather @!p0 [hbm4b:s1+s9], $0x80, s3, s9, $0xb8;
	[tilespmem:$0x1FE80] =	vst v63  }
0x115: {  	_ =	swait.ge @!p3 [sflag:s7], $0x4000  }
0x116: {  	s20 =	sadd.s32 $0xE0, s25;
	[sflag:s7] =	ssyncset.done @!p3 $0x0  }
0x117: {  	s15 =	simm.s32 @!p3 $0x380;
	[sflag:s7] =	ssyncadd.s32 @!p3 $0xFFFFC000;
	s7 =	simm.s32 @!p2 $0xC  }
0x118: {  	[spmem:s2] =	stream.indirect.scatter.add.f32 @!p3 [tilespmem:s8], [sflag:$0xA], $0x80, s15, s12, $0xb8;
	[tilespmem:$0x1FE80] =	vst v63  }
0x119: {  	p5 =	sgt.u32 s20, $0x9C3;
	_ =	swait.ge @!p2 [sflag:s7], $0x4000  }
0x11a: {  	s3 =	sadd.s32 @!p5 $0xFFFFF800, s30;
	s8 =	simm.s32 @!p5 $0x100;
	[sflag:s7] =	ssyncset.done @!p2 $0x0  }
0x11b: {  	s12 =	simm.s32 @!p1 $0x6;
	[sflag:s7] =	ssyncadd.s32 @!p2 $0xFFFFC000;
	s7 =	simm.s32 @!p5 $0x0  }
0x11c: {  	[tilespmem:s8], [sflag:$0x2] =	stream.linear.gather @!p5 [hbm4b:s3+s7], $0x100, $0x38;
	[tilespmem:$0x1FE80] =	vst v63  }
0x11d: {  	_ =	swait.ge @!p1 [sflag:s12], $0x100  }
0x11e: {  	s3 =	simm.s32 @!p1 $0x80;
	[sflag:s12] =	ssyncset.done @!p1 $0x0  }
0x11f: {  	s7 =	simm.s32 @!p1 $0x8600;
	[sflag:s12] =	ssyncadd.s32 @!p1 $0xFFFFFF00;
	s12 =	simm.s32 @!p0 $0x8  }
0x120: {  	[tilespmem:s7], [sflag:$0x9] =	stream.indirect.gather @!p1 [hbm4b:s1+s3], $0x80, s14, s3, $0xb8;
	[tilespmem:$0x1FE80] =	vst v63  }
0x121: {  	_ =	swait.ge @!p0 [sflag:s12], $0x4000  }
0x122: {  	s22 =	sadd.s32 $0x100, s25;
	[sflag:s12] =	ssyncset.done @!p0 $0x0  }
0x123: {  	s15 =	simm.s32 @!p0 $0x480;
	[sflag:s12] =	ssyncadd.s32 @!p0 $0xFFFFC000;
	s12 =	simm.s32 @!p3 $0xA  }
0x124: {  	[spmem:s2] =	stream.indirect.scatter.add.f32 @!p0 [tilespmem:s13], [sflag:$0xB], $0x80, s15, s9, $0xb8;
	[tilespmem:$0x1FE80] =	vst v63  }
0x125: {  	p2 =	sgt.u32 s22, $0x9C3;
	_ =	swait.ge @!p3 [sflag:s12], $0x4000  }
0x126: {  	s14 =	simm.s32 @!p4 $0x1;
	s9 =	sadd.s32 @!p2 $0xFFFFFC00, s30;
	[sflag:s12] =	ssyncset.done @!p3 $0x0  }
0x127: {  	s13 =	simm.s32 @!p2 $0x200;
	[sflag:s12] =	ssyncadd.s32 @!p3 $0xFFFFC000;
	s12 =	simm.s32 @!p2 $0x0  }
0x128: {  	[tilespmem:s13], [sflag:$0x3] =	stream.linear.gather @!p2 [hbm4b:s9+s12], $0x100, $0x38;
	[tilespmem:$0x1FE80] =	vst v63  }
0x129: {  	_ =	swait.ge @!p4 [sflag:s14], $0x100  }
0x12a: {  	s9 =	simm.s32 @!p4 $0x80;
	[sflag:s14] =	ssyncset.done @!p4 $0x0  }
0x12b: {  	s12 =	simm.s32 @!p4 $0x600;
	s13 =	simm.s32 @!p1 $0x9;
	[sflag:s14] =	ssyncadd.s32 @!p4 $0xFFFFFF00  }
0x12c: {  	[tilespmem:s12], [sflag:$0x7] =	stream.indirect.gather @!p4 [hbm4b:s1+s9], $0x80, s11, s9, $0xb8;
	[tilespmem:$0x1FE80] =	vst v63  }
0x12d: {  	_ =	swait.ge @!p1 [sflag:s13], $0x4000  }
0x12e: {  	[sflag:s13] =	ssyncset.done @!p1 $0x0  }
0x12f: {  	s9 =	simm.s32 @!p1 $0x580;
	s11 =	simm.s32 @!p0 $0xB;
	[sflag:s13] =	ssyncadd.s32 @!p1 $0xFFFFC000  }
0x130: {  	[spmem:s2] =	stream.indirect.scatter.add.f32 @!p1 [tilespmem:s7], [sflag:$0xC], $0x80, s9, s3, $0xb8;
	[tilespmem:$0x1FE80] =	vst v63  }
0x131: {  	s0 =	sadd.s32 $0x120, s25;
	_ =	swait.ge @!p0 [sflag:s11], $0x4000  }
0x132: {  	p1 =	sgt.u32 s0, $0x9C3;
	s7 =	simm.s32 @!p5 $0x2;
	[sflag:s11] =	ssyncset.done @!p0 $0x0  }
0x133: {  	s0 =	simm.s32 @!p1 $0x0;
	s3 =	simm.s32 @!p1 $0x300;
	[sflag:s11] =	ssyncadd.s32 @!p0 $0xFFFFC000  }
0x134: {  	[tilespmem:s3], [sflag:$0x4] =	stream.linear.gather @!p1 [hbm4b:s30+s0], $0x100, $0x38;
	[tilespmem:$0x1FE80] =	vst v63  }
0x135: {  	_ =	swait.ge @!p5 [sflag:s7], $0x100  }
0x136: {  	s23 =	stileid.u32;
	[sflag:s7] =	ssyncset.done @!p5 $0x0  }
0x137: {  	s0 =	simm.s32 @!p5 $0x4600;
	s3 =	simm.s32 @!p5 $0x80;
	[sflag:s7] =	ssyncadd.s32 @!p5 $0xFFFFFF00  }
0x138: {  	[tilespmem:s0], [sflag:$0x8] =	stream.indirect.gather @!p5 [hbm4b:s1+s3], $0x80, s8, s3, $0xb8;
	[tilespmem:$0x1FE80] =	vst v63  }
0x139: {  	s0 =	sshll.u32 s23, $0x6;
	[bflag:$0x0] =	sbarrier.arrive $0xFFFF  }
0x13a: {  	s25 =	sshrl.u32 s10, $0x3;
	s0 =	sor.u32 $0x1C0D, s0;
	s30 =	rddreg [dreg:$0xc]  }
0x13b: {  	[hbm:s30], [sflag:s0] =	dma.local [spmem:s25], $0x2800  }
0x13c: {  	_ =	swait.ge [sflag:s28], $0x2800  }
0x13d: {  	s29 =	sadd.s32 $0x1, s29;
	s31 =	rddreg [dreg:$0xd]  }
0x13e: {  	p0 =	sne.s32 s29, s31  }
.Ltmp2:
0x13f: {  	_ = 	snop;
	(pc) =	sbr.rel @p0 .LBB2_1-.Ltmp2, $3  }
0x140: {  	_ =	sdelay $0x1  }
0x141: {  	[sflag:s28] =	ssyncset.done $0x0  }
0x142: {  	[sflag:s28] =	ssyncadd.s32 $0xFFFFD800  }
0x143: {  	_ =	sfence.sel $0x180000  }
0x144: {  	[bflag:$0x0] =	sbarrier.arrive $0xFFFF  }
0x145: {  	_ =	strace $0x90000047  }
0x146: {  	s0 =	stileid.u32;
	[bflag:$0x2] =	sbarrier.arrive $0xFFFF  }
0x147: {  	p0 =	sne.s32 s0, $0x0;
	s0 =	rddreg [dreg:$0x4]  }
0x148: {  	s0 =	sadd.s32 @!p0 $0x100000, s0  }
0x149: {  	[sflag:s0] =	ssyncadd.tile.s32 @!p0 $0x1;
	_ =	shalt  }
.Lfunc_end2:
_tile_overlayer_lowered:
.L_overlay_start_2:
0x14a: {  	(tag) =	ssettag $0x2  }
0x14b: {  	s0 =	rddreg [dreg:$0x0];
	s2 =	stileid.u32  }
0x14c: {  	s1 =	rddreg [dreg:$0x1];
	p0 =	sne.s32 s2, $0x0  }
0x14d: {  	s3 =	rddreg [dreg:$0x2];
	[bflag:$0x3] =	sbarrier.arrive $0xFFFF;
	s2 =	simm.s32 @!p0 $0x1C0D  }
0x14e: {  	[timem:s3], [sflag:s2] =	dma.local @!p0 [hbm:s0], s1  }
0x14f: {  	s0 =	simm.s32 @!p0 $0xD  }
0x150: {  	_ =	swait.ge @!p0 [sflag:s0], s1  }
0x151: {  	s1 =	ssub.s32 @!p0 $0x0, s1;
	[sflag:s0] =	ssyncset.done @!p0 $0x0  }
0x152: {  	[sflag:s0] =	ssyncadd.s32 @!p0 s1  }
0x153: {  	[bflag:$0x3] =	sbarrier.arrive $0xFFFF  }
0x154: {  	_ =	shalt  }

</sc_bundles>
